<compile_context>
chip_gen: v7x
topology: tpu7x:2x2x1
jax: 0.10.2.dev20260603
libtpu: 0.0.44.dev20260713+nightly
codegen_flags: <defaults>
</compile_context>

<pallas_src>
import functools

import jax
import jax.numpy as jnp
from jax import lax
from jax.experimental import pallas as pl
from jax.experimental.pallas import tpu as pltpu
from jax.experimental.pallas import tpu_sc as plsc

N = 10000
E = 320000
D = 128
HD = 64
OUT = 40
NTILES = 32
EPT = E // NTILES
EPS = E // 16
CH = 80
NCH = EPS // CH
NB = 5
ROWS_PT = N // 16


def _vector_mesh():
    return plsc.VectorSubcoreMesh(core_axis_name="c", subcore_axis_name="s")


def _sc_degree(dst2d):

    @functools.partial(
        pl.kernel,
        out_type=jax.ShapeDtypeStruct((NTILES, N), jnp.float32),
        mesh=_vector_mesh(),
        scratch_types=[
            pltpu.VMEM((EPT,), jnp.int32),
            pltpu.VMEM((N,), jnp.float32),
        ],
        compiler_params=pltpu.CompilerParams(needs_layout_passes=False,
                                             use_tc_tiling_on_sc=False),
    )
    def deg_kernel(dst_hbm, out_hbm, idx_v, hist_v):
        wid = lax.axis_index("s") * 2 + lax.axis_index("c")
        zeros16 = jnp.zeros((16,), jnp.float32)

        @pl.loop(0, N, step=16)
        def _(i):
            hist_v[pl.ds(i, 16)] = zeros16

        pltpu.sync_copy(dst_hbm.at[wid], idx_v)
        ones16 = jnp.ones((16,), jnp.float32)

        @pl.loop(0, EPT, step=16)
        def _(i):
            plsc.addupdate_scatter(hist_v, [idx_v[pl.ds(i, 16)]], ones16)

        pltpu.sync_copy(hist_v, out_hbm.at[wid])

    return deg_kernel(dst2d)


def _sc_aggregate(y2, src3d, dst3d):

    @functools.partial(
        pl.kernel,
        out_type=jax.ShapeDtypeStruct((2, 16, ROWS_PT, HD), jnp.float32),
        mesh=_vector_mesh(),
        scratch_types=[
            pltpu.VMEM((NCH, CH), jnp.int32),
            pltpu.VMEM((NCH, CH), jnp.int32),
            pltpu.VMEM((NB, CH, HD), jnp.float32),
            pltpu.VMEM_SHARED((N, HD), jnp.float32),
            pltpu.SemaphoreType.DMA((NB,)),
            pltpu.SemaphoreType.DMA((NB,)),
        ],
        compiler_params=pltpu.CompilerParams(needs_layout_passes=False,
                                             use_tc_tiling_on_sc=False),
    )
    def agg_kernel(y_hbm, src_hbm, dst_hbm, out_hbm,
                   srcv, dstv, gbuf, acc, gsem, ssem):
        cid = lax.axis_index("c")
        sid = lax.axis_index("s")
        rows = pl.ds(sid * ROWS_PT, ROWS_PT)

        pltpu.async_copy(y_hbm.at[cid].at[rows], acc.at[rows], gsem.at[0])
        pltpu.sync_copy(src_hbm.at[sid], srcv)
        pltpu.sync_copy(dst_hbm.at[sid], dstv)
        pltpu.make_async_copy(y_hbm.at[cid].at[rows], acc.at[rows],
                              gsem.at[0]).wait()
        plsc.subcore_barrier()

        yh = y_hbm.at[cid]
        for b in range(NB):
            pltpu.async_copy(yh.at[srcv.at[b]], gbuf.at[b], gsem.at[b])

        @pl.loop(0, NCH - NB, step=NB)
        def _(i):
            for b in range(NB):
                pltpu.make_async_copy(yh.at[srcv.at[i + b]], gbuf.at[b],
                                      gsem.at[b]).wait()
                pltpu.async_copy(gbuf.at[b], acc.at[dstv.at[i + b]],
                                 ssem.at[b], add=True)
            for b in range(NB):
                pltpu.make_async_copy(gbuf.at[b], acc.at[dstv.at[i + b]],
                                      ssem.at[b]).wait()
                pltpu.async_copy(yh.at[srcv.at[i + NB + b]], gbuf.at[b],
                                 gsem.at[b])

        for b in range(NB):
            pltpu.make_async_copy(yh.at[srcv.at[NCH - NB + b]], gbuf.at[b],
                                  gsem.at[b]).wait()
            pltpu.async_copy(gbuf.at[b], acc.at[dstv.at[NCH - NB + b]],
                             ssem.at[b], add=True)
        for b in range(NB):
            pltpu.make_async_copy(gbuf.at[b], acc.at[dstv.at[NCH - NB + b]],
                                  ssem.at[b]).wait()

        plsc.subcore_barrier()
        pltpu.sync_copy(acc.at[rows], out_hbm.at[cid, sid])

    return agg_kernel(y2, src3d, dst3d)


def _tc_pre(x, wgT, degs):
    B = 1000

    def body(x_ref, w_ref, dg_ref, y_ref):
        deg = jnp.sum(dg_ref[...], axis=1, keepdims=True) + 1.0
        dinv = lax.rsqrt(jnp.maximum(deg, 1.0))
        xw = jnp.dot(x_ref[...], w_ref[...], preferred_element_type=jnp.float32)
        y = xw * dinv
        y_ref[0] = y[:, :HD]
        y_ref[1] = y[:, HD:]

    return pl.pallas_call(
        body,
        grid=(N // B,),
        in_specs=[
            pl.BlockSpec((B, D), lambda i: (i, 0)),
            pl.BlockSpec((D, D), lambda i: (0, 0)),
            pl.BlockSpec((B, NTILES), lambda i: (i, 0)),
        ],
        out_specs=pl.BlockSpec((2, B, HD), lambda i: (0, i, 0)),
        out_shape=jax.ShapeDtypeStruct((2, N, HD), jnp.float32),
        compiler_params=pltpu.CompilerParams(
            dimension_semantics=("parallel",)),
    )(x, wgT, degs)


def _tc_post(parts, degs, bg, bwT, swT, wcT, bc):
    B = 1000

    def body(p_ref, dg_ref, bg_ref, bw_ref, sw_ref, wc_ref,
             bc_ref, o_ref):
        deg = jnp.sum(dg_ref[...], axis=1, keepdims=True) + 1.0
        dinv = lax.rsqrt(jnp.maximum(deg, 1.0))
        agg = jnp.concatenate([p_ref[0], p_ref[1]], axis=1)
        h = jnp.maximum(agg * dinv + bg_ref[...], 0.0)

        sig = 1.0 / (1.0 + jnp.exp(-h))
        z = jnp.dot(h * sig, bw_ref[...], preferred_element_type=jnp.float32)

        u = (h + 2.2) * 2.5
        iu = jnp.floor(u)
        t = u - iu
        t2 = t * t
        t3 = t2 * t
        sixth = 1.0 / 6.0
        p0 = t3 * sixth
        p1 = (((-3.0 * t + 3.0) * t + 3.0) * t + 1.0) * sixth
        p2 = ((3.0 * t - 6.0) * t2) * sixth + 4.0 * sixth
        omt = 1.0 - t
        p3 = omt * omt * omt * sixth
        zero = jnp.zeros_like(h)
        segs = [p0, p1, p2, p3]

        spl = None
        for k in range(2, 8):
            bk = jnp.where(iu == k, segs[0], zero)
            for s in range(1, 4):
                bk = bk + jnp.where(iu == (k + s), segs[s], zero)
            d = jnp.dot(bk, sw_ref[k - 2], preferred_element_type=jnp.float32)
            spl = d if spl is None else spl + d

        logits = jnp.dot(z + spl, wc_ref[...],
                         preferred_element_type=jnp.float32) + bc_ref[...]
        m = jnp.max(logits, axis=1, keepdims=True)
        lse = jnp.log(jnp.sum(jnp.exp(logits - m), axis=1, keepdims=True)) + m
        o_ref[...] = logits - lse

    return pl.pallas_call(
        body,
        grid=(N // B,),
        in_specs=[
            pl.BlockSpec((2, B, HD), lambda i: (0, i, 0)),
            pl.BlockSpec((B, NTILES), lambda i: (i, 0)),
            pl.BlockSpec((1, D), lambda i: (0, 0)),
            pl.BlockSpec((D, D), lambda i: (0, 0)),
            pl.BlockSpec((6, D, D), lambda i: (0, 0, 0)),
            pl.BlockSpec((D, OUT), lambda i: (0, 0)),
            pl.BlockSpec((1, OUT), lambda i: (0, 0)),
        ],
        out_specs=pl.BlockSpec((B, OUT), lambda i: (i, 0)),
        out_shape=jax.ShapeDtypeStruct((N, OUT), jnp.float32),
        compiler_params=pltpu.CompilerParams(
            dimension_semantics=("parallel",)),
    )(parts, degs, bg, bwT, swT, wcT, bc)


def kernel(x, w_gcn, b_gcn, base_weight, spline_weight, grid, w_cls, b_cls,
           edge_index):
    edge_index = edge_index.astype(jnp.int32)
    src3 = edge_index[0].reshape(16, NCH, CH)
    dst2 = edge_index[1].reshape(NTILES, EPT)
    dst3 = edge_index[1].reshape(16, NCH, CH)

    degs = _sc_degree(dst2).T
    y2 = _tc_pre(x, w_gcn.T, degs)
    parts = _sc_aggregate(y2, src3, dst3)
    parts = parts.reshape(2, N, HD)
    swT = (spline_weight.reshape(D, D * 8).T
           .reshape(D, 8, D).transpose(1, 0, 2)[2:8])
    out = _tc_post(
        parts, degs,
        b_gcn.reshape(1, D),
        base_weight.T,
        swT,
        w_cls.T,
        b_cls.reshape(1, OUT),
    )
    return out

# --- scband reference (transcript-rebuilt; emitter-appended) ---
"""Pipeline reference for scband-gnn-kan-29566554866532 (READ-ONLY COPY).

The authoritative reference and input builder live on the scoring server;
editing this copy changes nothing except your own understanding.
"""

import jax, jax.numpy as jnp
import numpy as np

N = 10000
E = 320000
D_IN = 128
HID = 128
KAN_HID = 128
OUT = 40
GRID_SIZE = 5
K = 3


def make_grid():
    h = 2.0 / GRID_SIZE
    g = jnp.arange(-K, GRID_SIZE + K + 1, dtype=jnp.float32) * h - 1.0
    return jnp.tile(g[None, :], (HID, 1))


def b_splines(x, grid):
    # x: [N, HID], grid: [HID, GRID_SIZE + 2K + 1] -> [N, HID, GRID_SIZE + K]
    xe = x[..., None]
    bases = ((xe >= grid[:, :-1]) & (xe < grid[:, 1:])).astype(jnp.float32)
    for j in range(1, K + 1):
        left = (xe - grid[:, :-(j + 1)]) / (grid[:, j:-1] - grid[:, :-(j + 1)])
        right = (grid[:, j + 1:] - xe) / (grid[:, j + 1:] - grid[:, 1:-j])
        bases = left * bases[..., :-1] + right * bases[..., 1:]
    return bases


def setup_inputs(seed: int = 0):
    key = jax.random.key(seed)
    ks = jax.random.split(key, 8)
    x = jax.random.normal(ks[0], (N, D_IN), dtype=jnp.float32)
    edge_index = jax.random.randint(ks[1], (2, E), 0, N)
    w_gcn = jax.random.normal(ks[2], (HID, D_IN), dtype=jnp.float32) / np.sqrt(D_IN)
    b_gcn = jnp.zeros((HID,), dtype=jnp.float32)
    base_weight = jax.random.normal(ks[3], (KAN_HID, HID), dtype=jnp.float32) / np.sqrt(HID)
    spline_weight = jax.random.normal(ks[4], (KAN_HID, HID, GRID_SIZE + K), dtype=jnp.float32) * 0.1 / np.sqrt(HID)
    grid = make_grid()
    w_cls = jax.random.normal(ks[5], (OUT, KAN_HID), dtype=jnp.float32) / np.sqrt(KAN_HID)
    b_cls = jnp.zeros((OUT,), dtype=jnp.float32)
    return {"x": x, "w_gcn": w_gcn, "b_gcn": b_gcn, "base_weight": base_weight,
            "spline_weight": spline_weight, "grid": grid, "w_cls": w_cls,
            "b_cls": b_cls, "edge_index": edge_index}


def gcn_conv(x, edge_index, w, b):
    # PyG GCNConv semantics: linear transform, add self-loops, symmetric norm, sum aggregate
    n = x.shape[0]
    loop = jnp.arange(n, dtype=edge_index.dtype)
    src = jnp.concatenate([edge_index[0], loop])
    dst = jnp.concatenate([edge_index[1], loop])
    xw = x @ w.T
    deg = jnp.zeros((n,), dtype=jnp.float32).at[dst].add(1.0)
    dinv = jax.lax.rsqrt(jnp.clip(deg, 1.0, None))
    norm = dinv[src] * dinv[dst]
    msg = xw[src] * norm[:, None]
    out = jnp.zeros((n, xw.shape[1]), dtype=jnp.float32).at[dst].add(msg)
    return out + b


def kan_layer(x, base_weight, spline_weight, grid):
    # efficient-kan KANLinear: SiLU base branch + cubic B-spline branch
    base = jax.nn.silu(x) @ base_weight.T
    bas = b_splines(x, grid)
    spline = bas.reshape(x.shape[0], -1) @ spline_weight.reshape(spline_weight.shape[0], -1).T
    return base + spline


def reference(x, w_gcn, b_gcn, base_weight, spline_weight, grid, w_cls, b_cls, edge_index):
    h = gcn_conv(x, edge_index, w_gcn, b_gcn)
    h = jax.nn.relu(h)
    h = kan_layer(h, base_weight, spline_weight, grid)
    logits = h @ w_cls.T + b_cls
    return jax.nn.log_softmax(logits, axis=1)

if __name__ == "__main__":
    import jax
    _d = setup_inputs()
    print(jax.jit(kernel)(*tuple(_d.values())))

</pallas_src>

<mosaic_0001>
#map = affine_map<(d0, d1) -> (0, 0)>
module attributes {stable_mosaic.version = 14 : i64} {
  func.func @deg_kernel(%arg0: i32, %arg1: i32, %arg2: memref<32x10000xi32, #tpu.memory_space<hbm>>, %arg3: memref<32x10000xf32, #tpu.memory_space<hbm>>, %arg4: memref<10000xi32, #tpu.memory_space<vmem>>, %arg5: memref<10000xf32, #tpu.memory_space<vmem>>) attributes {dimension_semantics = [#tpu.dimension_semantics<core_parallel>, #tpu.dimension_semantics<subcore_parallel>], iteration_bounds = array<i64: 2, 16>, scalar_prefetch = 0 : i64, scratch_operands = 2 : i64, tpu.core_type = #tpu.core_type<sc_vector_subcore>, window_params = [{transform_indices = #map}, {transform_indices = #map}]} {
    %mul3A = arith.constant 2 : i32
    %mul3A_0 = arith.muli %arg1, %mul3A : i32
    %add3A = arith.addi %mul3A_0, %arg0 : i32
    %broadcast_in_dim3A = arith.constant 0.000000e+00 : f32
    %broadcast_in_dim3A_1 = vector.broadcast %broadcast_in_dim3A : f32 to vector<16xf32>
    %scan3A = arith.constant 0 : i32
    %scan3A_2 = arith.constant 625 : i32
    %scan3A_3 = arith.addi %scan3A, %scan3A_2 : i32
    %scan3A_4 = arith.constant 1 : i32
    scf.for %scan3A_13 = %scan3A to %scan3A_3 step %scan3A_4  : i32 {
      %mul3A_14 = arith.constant 16 : i32
      %mul3A_15 = arith.muli %scan3A_13, %mul3A_14 : i32
      %add3A_16 = arith.constant 0 : i32
      %add3A_17 = arith.addi %add3A_16, %mul3A_15 : i32
      %swap3A = arith.index_cast %add3A_17 : i32 to index
      %swap3A_18 = tpu.vector_load %arg5[%swap3A] {strides = array<i32>} : memref<10000xf32, #tpu.memory_space<vmem>>, vector<16xf32>,
      tpu.vector_store %arg5[%swap3A], %broadcast_in_dim3A_1 {strides = array<i32>} : memref<10000xf32, #tpu.memory_space<vmem>>, vector<16xf32>,
    }
    %scan3A_5 = arith.constant 625 : i32
    "tpu.region"() ({
      %run_scoped3A = tpu.sem_alloc : memref<!tpu.dma_semaphore, #tpu.memory_space<semaphore_mem>>
      %dma_start3A = arith.constant 0 : i32
      %dma_start3A_13 = tpu.memref_slice %arg2[%add3A, %dma_start3A] : memref<32x10000xi32, #tpu.memory_space<hbm>> -> memref<1x10000xi32, #tpu.memory_space<hbm>>
      %dma_start3A_14 = tpu.memref_squeeze %dma_start3A_13 : memref<1x10000xi32, #tpu.memory_space<hbm>> -> memref<10000xi32, #tpu.memory_space<hbm>>
      %dma_start3A_15 = arith.constant 0 : i32
      %dma_start3A_16 = tpu.memref_slice %arg2[%add3A, %dma_start3A_15] : memref<32x10000xi32, #tpu.memory_space<hbm>> -> memref<1x10000xi32, #tpu.memory_space<hbm>>
      %dma_start3A_17 = tpu.memref_squeeze %dma_start3A_16 : memref<1x10000xi32, #tpu.memory_space<hbm>> -> memref<10000xi32, #tpu.memory_space<hbm>>
      tpu.enqueue_dma source(%dma_start3A_17 : memref<10000xi32, #tpu.memory_space<hbm>>) target(%arg4 : memref<10000xi32, #tpu.memory_space<vmem>>) target_semaphore(%run_scoped3A : memref<!tpu.dma_semaphore, #tpu.memory_space<semaphore_mem>>)
      %dma_wait3A = arith.constant 0 : i32
      %dma_wait3A_18 = tpu.memref_slice %arg2[%add3A, %dma_wait3A] : memref<32x10000xi32, #tpu.memory_space<hbm>> -> memref<1x10000xi32, #tpu.memory_space<hbm>>
      %dma_wait3A_19 = tpu.memref_squeeze %dma_wait3A_18 : memref<1x10000xi32, #tpu.memory_space<hbm>> -> memref<10000xi32, #tpu.memory_space<hbm>>
      %dma_wait3A_20 = arith.constant 0 : i32
      %dma_wait3A_21 = tpu.memref_slice %arg2[%add3A, %dma_wait3A_20] : memref<32x10000xi32, #tpu.memory_space<hbm>> -> memref<1x10000xi32, #tpu.memory_space<hbm>>
      %dma_wait3A_22 = tpu.memref_squeeze %dma_wait3A_21 : memref<1x10000xi32, #tpu.memory_space<hbm>> -> memref<10000xi32, #tpu.memory_space<hbm>>
      tpu.wait_dma2 semaphore(%run_scoped3A : memref<!tpu.dma_semaphore, #tpu.memory_space<semaphore_mem>>) src(%dma_wait3A_22 : memref<10000xi32, #tpu.memory_space<hbm>>) dst(%arg4 : memref<10000xi32, #tpu.memory_space<vmem>>)
      tpu.yield
    }) : () -> ()
    %broadcast_in_dim3A_6 = arith.constant 1.000000e+00 : f32
    %broadcast_in_dim3A_7 = vector.broadcast %broadcast_in_dim3A_6 : f32 to vector<16xf32>
    %scan3A_8 = arith.constant 0 : i32
    %scan3A_9 = arith.constant 625 : i32
    %scan3A_10 = arith.addi %scan3A_8, %scan3A_9 : i32
    %scan3A_11 = arith.constant 1 : i32
    scf.for %scan3A_13 = %scan3A_8 to %scan3A_10 step %scan3A_11  : i32 {
      %mul3A_14 = arith.constant 16 : i32
      %mul3A_15 = arith.muli %scan3A_13, %mul3A_14 : i32
      %add3A_16 = arith.constant 0 : i32
      %add3A_17 = arith.addi %add3A_16, %mul3A_15 : i32
      %get3A = arith.index_cast %add3A_17 : i32 to index
      %get3A_18 = tpu.vector_load %arg4[%get3A] {strides = array<i32>} : memref<10000xi32, #tpu.memory_space<vmem>>, vector<16xi32>,
      tpu.vector_store_idx %arg5[%get3A_18], %broadcast_in_dim3A_7 {add = true} : memref<10000xf32, #tpu.memory_space<vmem>>[vector<16xi32>], vector<16xf32>,
    }
    %scan3A_12 = arith.constant 625 : i32
    "tpu.region"() ({
      %run_scoped3A = tpu.sem_alloc : memref<!tpu.dma_semaphore, #tpu.memory_space<semaphore_mem>>
      %dma_start3A = arith.constant 0 : i32
      %dma_start3A_13 = tpu.memref_slice %arg3[%add3A, %dma_start3A] : memref<32x10000xf32, #tpu.memory_space<hbm>> -> memref<1x10000xf32, #tpu.memory_space<hbm>>
      %dma_start3A_14 = tpu.memref_squeeze %dma_start3A_13 : memref<1x10000xf32, #tpu.memory_space<hbm>> -> memref<10000xf32, #tpu.memory_space<hbm>>
      %dma_start3A_15 = arith.constant 0 : i32
      %dma_start3A_16 = tpu.memref_slice %arg3[%add3A, %dma_start3A_15] : memref<32x10000xf32, #tpu.memory_space<hbm>> -> memref<1x10000xf32, #tpu.memory_space<hbm>>
      %dma_start3A_17 = tpu.memref_squeeze %dma_start3A_16 : memref<1x10000xf32, #tpu.memory_space<hbm>> -> memref<10000xf32, #tpu.memory_space<hbm>>
      tpu.enqueue_dma source(%arg5 : memref<10000xf32, #tpu.memory_space<vmem>>) target(%dma_start3A_17 : memref<10000xf32, #tpu.memory_space<hbm>>) target_semaphore(%run_scoped3A : memref<!tpu.dma_semaphore, #tpu.memory_space<semaphore_mem>>)
      %dma_wait3A = arith.constant 0 : i32
      %dma_wait3A_18 = tpu.memref_slice %arg3[%add3A, %dma_wait3A] : memref<32x10000xf32, #tpu.memory_space<hbm>> -> memref<1x10000xf32, #tpu.memory_space<hbm>>
      %dma_wait3A_19 = tpu.memref_squeeze %dma_wait3A_18 : memref<1x10000xf32, #tpu.memory_space<hbm>> -> memref<10000xf32, #tpu.memory_space<hbm>>
      %dma_wait3A_20 = arith.constant 0 : i32
      %dma_wait3A_21 = tpu.memref_slice %arg3[%add3A, %dma_wait3A_20] : memref<32x10000xf32, #tpu.memory_space<hbm>> -> memref<1x10000xf32, #tpu.memory_space<hbm>>
      %dma_wait3A_22 = tpu.memref_squeeze %dma_wait3A_21 : memref<1x10000xf32, #tpu.memory_space<hbm>> -> memref<10000xf32, #tpu.memory_space<hbm>>
      tpu.wait_dma2 semaphore(%run_scoped3A : memref<!tpu.dma_semaphore, #tpu.memory_space<semaphore_mem>>) src(%arg5 : memref<10000xf32, #tpu.memory_space<vmem>>) dst(%dma_wait3A_22 : memref<10000xf32, #tpu.memory_space<hbm>>)
      tpu.yield
    }) : () -> ()
    return
  }
}

#map = affine_map<(d0, d1) -> (0, 0, 0)>
#map1 = affine_map<(d0, d1) -> (0, 0, 0, 0)>
module attributes {stable_mosaic.version = 14 : i64} {
  func.func @agg_kernel(%arg0: i32, %arg1: i32, %arg2: memref<2x10000x64xf32, #tpu.memory_space<hbm>>, %arg3: memref<16x250x80xi32, #tpu.memory_space<hbm>>, %arg4: memref<16x250x80xi32, #tpu.memory_space<hbm>>, %arg5: memref<2x16x625x64xf32, #tpu.memory_space<hbm>>, %arg6: memref<250x80xi32, #tpu.memory_space<vmem>>, %arg7: memref<250x80xi32, #tpu.memory_space<vmem>>, %arg8: memref<5x80x64xf32, #tpu.memory_space<vmem>>, %arg9: memref<10000x64xf32, #tpu.memory_space<vmem_shared>>, %arg10: memref<5x!tpu.dma_semaphore, #tpu.memory_space<semaphore_mem>>, %arg11: memref<5x!tpu.dma_semaphore, #tpu.memory_space<semaphore_mem>>) attributes {dimension_semantics = [#tpu.dimension_semantics<core_parallel>, #tpu.dimension_semantics<subcore_parallel>], iteration_bounds = array<i64: 2, 16>, scalar_prefetch = 0 : i64, scratch_operands = 6 : i64, tpu.core_type = #tpu.core_type<sc_vector_subcore>, window_params = [{transform_indices = #map}, {transform_indices = #map}, {transform_indices = #map}, {transform_indices = #map1}]} {
    %mul3A = arith.constant 625 : i32
    %mul3A_0 = arith.muli %arg1, %mul3A : i32
    %dma_start3A = arith.constant 0 : i32
    %dma_start3A_1 = tpu.memref_slice %arg10[%dma_start3A] : memref<5x!tpu.dma_semaphore, #tpu.memory_space<semaphore_mem>> -> memref<1x!tpu.dma_semaphore, #tpu.memory_space<semaphore_mem>>
    %dma_start3A_2 = tpu.memref_squeeze %dma_start3A_1 : memref<1x!tpu.dma_semaphore, #tpu.memory_space<semaphore_mem>> -> memref<!tpu.dma_semaphore, #tpu.memory_space<semaphore_mem>>
    %dma_start3A_3 = arith.constant 0 : i32
    %dma_start3A_4 = tpu.memref_slice %arg9[%mul3A_0, %dma_start3A_3] : memref<10000x64xf32, #tpu.memory_space<vmem_shared>> -> memref<625x64xf32, #tpu.memory_space<vmem_shared>>
    %dma_start3A_5 = arith.constant 0 : i32
    %dma_start3A_6 = arith.constant 0 : i32
    %dma_start3A_7 = tpu.memref_slice %arg2[%arg0, %dma_start3A_5, %dma_start3A_6] : memref<2x10000x64xf32, #tpu.memory_space<hbm>> -> memref<1x10000x64xf32, #tpu.memory_space<hbm>>
    %dma_start3A_8 = tpu.memref_squeeze %dma_start3A_7 : memref<1x10000x64xf32, #tpu.memory_space<hbm>> -> memref<10000x64xf32, #tpu.memory_space<hbm>>
    %dma_start3A_9 = arith.constant 0 : i32
    %dma_start3A_10 = tpu.memref_slice %dma_start3A_8[%mul3A_0, %dma_start3A_9] : memref<10000x64xf32, #tpu.memory_space<hbm>> -> memref<625x64xf32, #tpu.memory_space<hbm>>
    tpu.enqueue_dma source(%dma_start3A_10 : memref<625x64xf32, #tpu.memory_space<hbm>>) target(%dma_start3A_4 : memref<625x64xf32, #tpu.memory_space<vmem_shared>>) target_semaphore(%dma_start3A_2 : memref<!tpu.dma_semaphore, #tpu.memory_space<semaphore_mem>>)
    "tpu.region"() ({
      %run_scoped3A = tpu.sem_alloc : memref<!tpu.dma_semaphore, #tpu.memory_space<semaphore_mem>>
      %dma_start3A_366 = arith.constant 0 : i32
      %dma_start3A_367 = arith.constant 0 : i32
      %dma_start3A_368 = tpu.memref_slice %arg3[%arg1, %dma_start3A_366, %dma_start3A_367] : memref<16x250x80xi32, #tpu.memory_space<hbm>> -> memref<1x250x80xi32, #tpu.memory_space<hbm>>
      %dma_start3A_369 = tpu.memref_squeeze %dma_start3A_368 : memref<1x250x80xi32, #tpu.memory_space<hbm>> -> memref<250x80xi32, #tpu.memory_space<hbm>>
      %dma_start3A_370 = arith.constant 0 : i32
      %dma_start3A_371 = arith.constant 0 : i32
      %dma_start3A_372 = tpu.memref_slice %arg3[%arg1, %dma_start3A_370, %dma_start3A_371] : memref<16x250x80xi32, #tpu.memory_space<hbm>> -> memref<1x250x80xi32, #tpu.memory_space<hbm>>
      %dma_start3A_373 = tpu.memref_squeeze %dma_start3A_372 : memref<1x250x80xi32, #tpu.memory_space<hbm>> -> memref<250x80xi32, #tpu.memory_space<hbm>>
      tpu.enqueue_dma source(%dma_start3A_373 : memref<250x80xi32, #tpu.memory_space<hbm>>) target(%arg6 : memref<250x80xi32, #tpu.memory_space<vmem>>) target_semaphore(%run_scoped3A : memref<!tpu.dma_semaphore, #tpu.memory_space<semaphore_mem>>)
      %dma_wait3A_374 = arith.constant 0 : i32
      %dma_wait3A_375 = arith.constant 0 : i32
      %dma_wait3A_376 = tpu.memref_slice %arg3[%arg1, %dma_wait3A_374, %dma_wait3A_375] : memref<16x250x80xi32, #tpu.memory_space<hbm>> -> memref<1x250x80xi32, #tpu.memory_space<hbm>>
      %dma_wait3A_377 = tpu.memref_squeeze %dma_wait3A_376 : memref<1x250x80xi32, #tpu.memory_space<hbm>> -> memref<250x80xi32, #tpu.memory_space<hbm>>
      %dma_wait3A_378 = arith.constant 0 : i32
      %dma_wait3A_379 = arith.constant 0 : i32
      %dma_wait3A_380 = tpu.memref_slice %arg3[%arg1, %dma_wait3A_378, %dma_wait3A_379] : memref<16x250x80xi32, #tpu.memory_space<hbm>> -> memref<1x250x80xi32, #tpu.memory_space<hbm>>
      %dma_wait3A_381 = tpu.memref_squeeze %dma_wait3A_380 : memref<1x250x80xi32, #tpu.memory_space<hbm>> -> memref<250x80xi32, #tpu.memory_space<hbm>>
      tpu.wait_dma2 semaphore(%run_scoped3A : memref<!tpu.dma_semaphore, #tpu.memory_space<semaphore_mem>>) src(%dma_wait3A_381 : memref<250x80xi32, #tpu.memory_space<hbm>>) dst(%arg6 : memref<250x80xi32, #tpu.memory_space<vmem>>)
      tpu.yield
    }) : () -> ()
    "tpu.region"() ({
      %run_scoped3A = tpu.sem_alloc : memref<!tpu.dma_semaphore, #tpu.memory_space<semaphore_mem>>
      %dma_start3A_366 = arith.constant 0 : i32
      %dma_start3A_367 = arith.constant 0 : i32
      %dma_start3A_368 = tpu.memref_slice %arg4[%arg1, %dma_start3A_366, %dma_start3A_367] : memref<16x250x80xi32, #tpu.memory_space<hbm>> -> memref<1x250x80xi32, #tpu.memory_space<hbm>>
      %dma_start3A_369 = tpu.memref_squeeze %dma_start3A_368 : memref<1x250x80xi32, #tpu.memory_space<hbm>> -> memref<250x80xi32, #tpu.memory_space<hbm>>
      %dma_start3A_370 = arith.constant 0 : i32
      %dma_start3A_371 = arith.constant 0 : i32
      %dma_start3A_372 = tpu.memref_slice %arg4[%arg1, %dma_start3A_370, %dma_start3A_371] : memref<16x250x80xi32, #tpu.memory_space<hbm>> -> memref<1x250x80xi32, #tpu.memory_space<hbm>>
      %dma_start3A_373 = tpu.memref_squeeze %dma_start3A_372 : memref<1x250x80xi32, #tpu.memory_space<hbm>> -> memref<250x80xi32, #tpu.memory_space<hbm>>
      tpu.enqueue_dma source(%dma_start3A_373 : memref<250x80xi32, #tpu.memory_space<hbm>>) target(%arg7 : memref<250x80xi32, #tpu.memory_space<vmem>>) target_semaphore(%run_scoped3A : memref<!tpu.dma_semaphore, #tpu.memory_space<semaphore_mem>>)
      %dma_wait3A_374 = arith.constant 0 : i32
      %dma_wait3A_375 = arith.constant 0 : i32
      %dma_wait3A_376 = tpu.memref_slice %arg4[%arg1, %dma_wait3A_374, %dma_wait3A_375] : memref<16x250x80xi32, #tpu.memory_space<hbm>> -> memref<1x250x80xi32, #tpu.memory_space<hbm>>
      %dma_wait3A_377 = tpu.memref_squeeze %dma_wait3A_376 : memref<1x250x80xi32, #tpu.memory_space<hbm>> -> memref<250x80xi32, #tpu.memory_space<hbm>>
      %dma_wait3A_378 = arith.constant 0 : i32
      %dma_wait3A_379 = arith.constant 0 : i32
      %dma_wait3A_380 = tpu.memref_slice %arg4[%arg1, %dma_wait3A_378, %dma_wait3A_379] : memref<16x250x80xi32, #tpu.memory_space<hbm>> -> memref<1x250x80xi32, #tpu.memory_space<hbm>>
      %dma_wait3A_381 = tpu.memref_squeeze %dma_wait3A_380 : memref<1x250x80xi32, #tpu.memory_space<hbm>> -> memref<250x80xi32, #tpu.memory_space<hbm>>
      tpu.wait_dma2 semaphore(%run_scoped3A : memref<!tpu.dma_semaphore, #tpu.memory_space<semaphore_mem>>) src(%dma_wait3A_381 : memref<250x80xi32, #tpu.memory_space<hbm>>) dst(%arg7 : memref<250x80xi32, #tpu.memory_space<vmem>>)
      tpu.yield
    }) : () -> ()
    %dma_wait3A = arith.constant 0 : i32
    %dma_wait3A_11 = tpu.memref_slice %arg10[%dma_wait3A] : memref<5x!tpu.dma_semaphore, #tpu.memory_space<semaphore_mem>> -> memref<1x!tpu.dma_semaphore, #tpu.memory_space<semaphore_mem>>
    %dma_wait3A_12 = tpu.memref_squeeze %dma_wait3A_11 : memref<1x!tpu.dma_semaphore, #tpu.memory_space<semaphore_mem>> -> memref<!tpu.dma_semaphore, #tpu.memory_space<semaphore_mem>>
    %dma_wait3A_13 = arith.constant 0 : i32
    %dma_wait3A_14 = tpu.memref_slice %arg9[%mul3A_0, %dma_wait3A_13] : memref<10000x64xf32, #tpu.memory_space<vmem_shared>> -> memref<625x64xf32, #tpu.memory_space<vmem_shared>>
    %dma_wait3A_15 = arith.constant 0 : i32
    %dma_wait3A_16 = arith.constant 0 : i32
    %dma_wait3A_17 = tpu.memref_slice %arg2[%arg0, %dma_wait3A_15, %dma_wait3A_16] : memref<2x10000x64xf32, #tpu.memory_space<hbm>> -> memref<1x10000x64xf32, #tpu.memory_space<hbm>>
    %dma_wait3A_18 = tpu.memref_squeeze %dma_wait3A_17 : memref<1x10000x64xf32, #tpu.memory_space<hbm>> -> memref<10000x64xf32, #tpu.memory_space<hbm>>
    %dma_wait3A_19 = arith.constant 0 : i32
    %dma_wait3A_20 = tpu.memref_slice %dma_wait3A_18[%mul3A_0, %dma_wait3A_19] : memref<10000x64xf32, #tpu.memory_space<hbm>> -> memref<625x64xf32, #tpu.memory_space<hbm>>
    tpu.wait_dma2 semaphore(%dma_wait3A_12 : memref<!tpu.dma_semaphore, #tpu.memory_space<semaphore_mem>>) src(%dma_wait3A_20 : memref<625x64xf32, #tpu.memory_space<hbm>>) dst(%dma_wait3A_14 : memref<625x64xf32, #tpu.memory_space<vmem_shared>>)
    %barrier3A = arith.constant 0 : index
    tpu.barrier barrier_id(%barrier3A)
    %dma_start3A_21 = arith.constant 0 : i32
    %dma_start3A_22 = arith.constant 0 : i32
    %dma_start3A_23 = arith.constant 0 : i32
    %dma_start3A_24 = arith.constant 0 : i32
    %dma_start3A_25 = arith.constant 0 : i32
    %dma_start3A_26 = tpu.memref_slice %arg8[%dma_start3A_22, %dma_start3A_24, %dma_start3A_25] : memref<5x80x64xf32, #tpu.memory_space<vmem>> -> memref<1x80x64xf32, #tpu.memory_space<vmem>>
    %dma_start3A_27 = tpu.memref_squeeze %dma_start3A_26 : memref<1x80x64xf32, #tpu.memory_space<vmem>> -> memref<80x64xf32, #tpu.memory_space<vmem>>
    %dma_start3A_28 = arith.constant 0 : i32
    %dma_start3A_29 = tpu.memref_slice %arg6[%dma_start3A_21, %dma_start3A_28] : memref<250x80xi32, #tpu.memory_space<vmem>> -> memref<1x80xi32, #tpu.memory_space<vmem>>
    %dma_start3A_30 = tpu.memref_squeeze %dma_start3A_29 : memref<1x80xi32, #tpu.memory_space<vmem>> -> memref<80xi32, #tpu.memory_space<vmem>>
    %dma_start3A_31 = arith.constant 0 : i32
    %dma_start3A_32 = arith.constant 0 : i32
    %dma_start3A_33 = tpu.memref_slice %arg2[%arg0, %dma_start3A_31, %dma_start3A_32] : memref<2x10000x64xf32, #tpu.memory_space<hbm>> -> memref<1x10000x64xf32, #tpu.memory_space<hbm>>
    %dma_start3A_34 = tpu.memref_squeeze %dma_start3A_33 : memref<1x10000x64xf32, #tpu.memory_space<hbm>> -> memref<10000x64xf32, #tpu.memory_space<hbm>>
    %dma_start3A_35 = arith.constant 0 : i32
    %dma_start3A_36 = arith.constant 0 : i32
    %dma_start3A_37 = tpu.memref_slice %dma_start3A_34[%dma_start3A_35, %dma_start3A_36] : memref<10000x64xf32, #tpu.memory_space<hbm>> -> memref<10000x64xf32, #tpu.memory_space<hbm>>
    %dma_start3A_38 = tpu.memref_slice %arg10[%dma_start3A_23] : memref<5x!tpu.dma_semaphore, #tpu.memory_space<semaphore_mem>> -> memref<1x!tpu.dma_semaphore, #tpu.memory_space<semaphore_mem>>
    %dma_start3A_39 = tpu.memref_squeeze %dma_start3A_38 : memref<1x!tpu.dma_semaphore, #tpu.memory_space<semaphore_mem>> -> memref<!tpu.dma_semaphore, #tpu.memory_space<semaphore_mem>>
    tpu.enqueue_indirect_dma source(%dma_start3A_37 : memref<10000x64xf32, #tpu.memory_space<hbm>>) target(%dma_start3A_27 : memref<80x64xf32, #tpu.memory_space<vmem>>) offsets(%dma_start3A_30 : memref<80xi32, #tpu.memory_space<vmem>>) semaphore(%dma_start3A_39 : memref<!tpu.dma_semaphore, #tpu.memory_space<semaphore_mem>>)
    %dma_start3A_40 = arith.constant 1 : i32
    %dma_start3A_41 = arith.constant 1 : i32
    %dma_start3A_42 = arith.constant 1 : i32
    %dma_start3A_43 = arith.constant 0 : i32
    %dma_start3A_44 = arith.constant 0 : i32
    %dma_start3A_45 = tpu.memref_slice %arg8[%dma_start3A_41, %dma_start3A_43, %dma_start3A_44] : memref<5x80x64xf32, #tpu.memory_space<vmem>> -> memref<1x80x64xf32, #tpu.memory_space<vmem>>
    %dma_start3A_46 = tpu.memref_squeeze %dma_start3A_45 : memref<1x80x64xf32, #tpu.memory_space<vmem>> -> memref<80x64xf32, #tpu.memory_space<vmem>>
    %dma_start3A_47 = arith.constant 0 : i32
    %dma_start3A_48 = tpu.memref_slice %arg6[%dma_start3A_40, %dma_start3A_47] : memref<250x80xi32, #tpu.memory_space<vmem>> -> memref<1x80xi32, #tpu.memory_space<vmem>>
    %dma_start3A_49 = tpu.memref_squeeze %dma_start3A_48 : memref<1x80xi32, #tpu.memory_space<vmem>> -> memref<80xi32, #tpu.memory_space<vmem>>
    %dma_start3A_50 = arith.constant 0 : i32
    %dma_start3A_51 = arith.constant 0 : i32
    %dma_start3A_52 = tpu.memref_slice %arg2[%arg0, %dma_start3A_50, %dma_start3A_51] : memref<2x10000x64xf32, #tpu.memory_space<hbm>> -> memref<1x10000x64xf32, #tpu.memory_space<hbm>>
    %dma_start3A_53 = tpu.memref_squeeze %dma_start3A_52 : memref<1x10000x64xf32, #tpu.memory_space<hbm>> -> memref<10000x64xf32, #tpu.memory_space<hbm>>
    %dma_start3A_54 = arith.constant 0 : i32
    %dma_start3A_55 = arith.constant 0 : i32
    %dma_start3A_56 = tpu.memref_slice %dma_start3A_53[%dma_start3A_54, %dma_start3A_55] : memref<10000x64xf32, #tpu.memory_space<hbm>> -> memref<10000x64xf32, #tpu.memory_space<hbm>>
    %dma_start3A_57 = tpu.memref_slice %arg10[%dma_start3A_42] : memref<5x!tpu.dma_semaphore, #tpu.memory_space<semaphore_mem>> -> memref<1x!tpu.dma_semaphore, #tpu.memory_space<semaphore_mem>>
    %dma_start3A_58 = tpu.memref_squeeze %dma_start3A_57 : memref<1x!tpu.dma_semaphore, #tpu.memory_space<semaphore_mem>> -> memref<!tpu.dma_semaphore, #tpu.memory_space<semaphore_mem>>
    tpu.enqueue_indirect_dma source(%dma_start3A_56 : memref<10000x64xf32, #tpu.memory_space<hbm>>) target(%dma_start3A_46 : memref<80x64xf32, #tpu.memory_space<vmem>>) offsets(%dma_start3A_49 : memref<80xi32, #tpu.memory_space<vmem>>) semaphore(%dma_start3A_58 : memref<!tpu.dma_semaphore, #tpu.memory_space<semaphore_mem>>)
    %dma_start3A_59 = arith.constant 2 : i32
    %dma_start3A_60 = arith.constant 2 : i32
    %dma_start3A_61 = arith.constant 2 : i32
    %dma_start3A_62 = arith.constant 0 : i32
    %dma_start3A_63 = arith.constant 0 : i32
    %dma_start3A_64 = tpu.memref_slice %arg8[%dma_start3A_60, %dma_start3A_62, %dma_start3A_63] : memref<5x80x64xf32, #tpu.memory_space<vmem>> -> memref<1x80x64xf32, #tpu.memory_space<vmem>>
    %dma_start3A_65 = tpu.memref_squeeze %dma_start3A_64 : memref<1x80x64xf32, #tpu.memory_space<vmem>> -> memref<80x64xf32, #tpu.memory_space<vmem>>
    %dma_start3A_66 = arith.constant 0 : i32
    %dma_start3A_67 = tpu.memref_slice %arg6[%dma_start3A_59, %dma_start3A_66] : memref<250x80xi32, #tpu.memory_space<vmem>> -> memref<1x80xi32, #tpu.memory_space<vmem>>
    %dma_start3A_68 = tpu.memref_squeeze %dma_start3A_67 : memref<1x80xi32, #tpu.memory_space<vmem>> -> memref<80xi32, #tpu.memory_space<vmem>>
    %dma_start3A_69 = arith.constant 0 : i32
    %dma_start3A_70 = arith.constant 0 : i32
    %dma_start3A_71 = tpu.memref_slice %arg2[%arg0, %dma_start3A_69, %dma_start3A_70] : memref<2x10000x64xf32, #tpu.memory_space<hbm>> -> memref<1x10000x64xf32, #tpu.memory_space<hbm>>
    %dma_start3A_72 = tpu.memref_squeeze %dma_start3A_71 : memref<1x10000x64xf32, #tpu.memory_space<hbm>> -> memref<10000x64xf32, #tpu.memory_space<hbm>>
    %dma_start3A_73 = arith.constant 0 : i32
    %dma_start3A_74 = arith.constant 0 : i32
    %dma_start3A_75 = tpu.memref_slice %dma_start3A_72[%dma_start3A_73, %dma_start3A_74] : memref<10000x64xf32, #tpu.memory_space<hbm>> -> memref<10000x64xf32, #tpu.memory_space<hbm>>
    %dma_start3A_76 = tpu.memref_slice %arg10[%dma_start3A_61] : memref<5x!tpu.dma_semaphore, #tpu.memory_space<semaphore_mem>> -> memref<1x!tpu.dma_semaphore, #tpu.memory_space<semaphore_mem>>
    %dma_start3A_77 = tpu.memref_squeeze %dma_start3A_76 : memref<1x!tpu.dma_semaphore, #tpu.memory_space<semaphore_mem>> -> memref<!tpu.dma_semaphore, #tpu.memory_space<semaphore_mem>>
    tpu.enqueue_indirect_dma source(%dma_start3A_75 : memref<10000x64xf32, #tpu.memory_space<hbm>>) target(%dma_start3A_65 : memref<80x64xf32, #tpu.memory_space<vmem>>) offsets(%dma_start3A_68 : memref<80xi32, #tpu.memory_space<vmem>>) semaphore(%dma_start3A_77 : memref<!tpu.dma_semaphore, #tpu.memory_space<semaphore_mem>>)
    %dma_start3A_78 = arith.constant 3 : i32
    %dma_start3A_79 = arith.constant 3 : i32
    %dma_start3A_80 = arith.constant 3 : i32
    %dma_start3A_81 = arith.constant 0 : i32
    %dma_start3A_82 = arith.constant 0 : i32
    %dma_start3A_83 = tpu.memref_slice %arg8[%dma_start3A_79, %dma_start3A_81, %dma_start3A_82] : memref<5x80x64xf32, #tpu.memory_space<vmem>> -> memref<1x80x64xf32, #tpu.memory_space<vmem>>
    %dma_start3A_84 = tpu.memref_squeeze %dma_start3A_83 : memref<1x80x64xf32, #tpu.memory_space<vmem>> -> memref<80x64xf32, #tpu.memory_space<vmem>>
    %dma_start3A_85 = arith.constant 0 : i32
    %dma_start3A_86 = tpu.memref_slice %arg6[%dma_start3A_78, %dma_start3A_85] : memref<250x80xi32, #tpu.memory_space<vmem>> -> memref<1x80xi32, #tpu.memory_space<vmem>>
    %dma_start3A_87 = tpu.memref_squeeze %dma_start3A_86 : memref<1x80xi32, #tpu.memory_space<vmem>> -> memref<80xi32, #tpu.memory_space<vmem>>
    %dma_start3A_88 = arith.constant 0 : i32
    %dma_start3A_89 = arith.constant 0 : i32
    %dma_start3A_90 = tpu.memref_slice %arg2[%arg0, %dma_start3A_88, %dma_start3A_89] : memref<2x10000x64xf32, #tpu.memory_space<hbm>> -> memref<1x10000x64xf32, #tpu.memory_space<hbm>>
    %dma_start3A_91 = tpu.memref_squeeze %dma_start3A_90 : memref<1x10000x64xf32, #tpu.memory_space<hbm>> -> memref<10000x64xf32, #tpu.memory_space<hbm>>
    %dma_start3A_92 = arith.constant 0 : i32
    %dma_start3A_93 = arith.constant 0 : i32
    %dma_start3A_94 = tpu.memref_slice %dma_start3A_91[%dma_start3A_92, %dma_start3A_93] : memref<10000x64xf32, #tpu.memory_space<hbm>> -> memref<10000x64xf32, #tpu.memory_space<hbm>>
    %dma_start3A_95 = tpu.memref_slice %arg10[%dma_start3A_80] : memref<5x!tpu.dma_semaphore, #tpu.memory_space<semaphore_mem>> -> memref<1x!tpu.dma_semaphore, #tpu.memory_space<semaphore_mem>>
    %dma_start3A_96 = tpu.memref_squeeze %dma_start3A_95 : memref<1x!tpu.dma_semaphore, #tpu.memory_space<semaphore_mem>> -> memref<!tpu.dma_semaphore, #tpu.memory_space<semaphore_mem>>
    tpu.enqueue_indirect_dma source(%dma_start3A_94 : memref<10000x64xf32, #tpu.memory_space<hbm>>) target(%dma_start3A_84 : memref<80x64xf32, #tpu.memory_space<vmem>>) offsets(%dma_start3A_87 : memref<80xi32, #tpu.memory_space<vmem>>) semaphore(%dma_start3A_96 : memref<!tpu.dma_semaphore, #tpu.memory_space<semaphore_mem>>)
    %dma_start3A_97 = arith.constant 4 : i32
    %dma_start3A_98 = arith.constant 4 : i32
    %dma_start3A_99 = arith.constant 4 : i32
    %dma_start3A_100 = arith.constant 0 : i32
    %dma_start3A_101 = arith.constant 0 : i32
    %dma_start3A_102 = tpu.memref_slice %arg8[%dma_start3A_98, %dma_start3A_100, %dma_start3A_101] : memref<5x80x64xf32, #tpu.memory_space<vmem>> -> memref<1x80x64xf32, #tpu.memory_space<vmem>>
    %dma_start3A_103 = tpu.memref_squeeze %dma_start3A_102 : memref<1x80x64xf32, #tpu.memory_space<vmem>> -> memref<80x64xf32, #tpu.memory_space<vmem>>
    %dma_start3A_104 = arith.constant 0 : i32
    %dma_start3A_105 = tpu.memref_slice %arg6[%dma_start3A_97, %dma_start3A_104] : memref<250x80xi32, #tpu.memory_space<vmem>> -> memref<1x80xi32, #tpu.memory_space<vmem>>
    %dma_start3A_106 = tpu.memref_squeeze %dma_start3A_105 : memref<1x80xi32, #tpu.memory_space<vmem>> -> memref<80xi32, #tpu.memory_space<vmem>>
    %dma_start3A_107 = arith.constant 0 : i32
    %dma_start3A_108 = arith.constant 0 : i32
    %dma_start3A_109 = tpu.memref_slice %arg2[%arg0, %dma_start3A_107, %dma_start3A_108] : memref<2x10000x64xf32, #tpu.memory_space<hbm>> -> memref<1x10000x64xf32, #tpu.memory_space<hbm>>
    %dma_start3A_110 = tpu.memref_squeeze %dma_start3A_109 : memref<1x10000x64xf32, #tpu.memory_space<hbm>> -> memref<10000x64xf32, #tpu.memory_space<hbm>>
    %dma_start3A_111 = arith.constant 0 : i32
    %dma_start3A_112 = arith.constant 0 : i32
    %dma_start3A_113 = tpu.memref_slice %dma_start3A_110[%dma_start3A_111, %dma_start3A_112] : memref<10000x64xf32, #tpu.memory_space<hbm>> -> memref<10000x64xf32, #tpu.memory_space<hbm>>
    %dma_start3A_114 = tpu.memref_slice %arg10[%dma_start3A_99] : memref<5x!tpu.dma_semaphore, #tpu.memory_space<semaphore_mem>> -> memref<1x!tpu.dma_semaphore, #tpu.memory_space<semaphore_mem>>
    %dma_start3A_115 = tpu.memref_squeeze %dma_start3A_114 : memref<1x!tpu.dma_semaphore, #tpu.memory_space<semaphore_mem>> -> memref<!tpu.dma_semaphore, #tpu.memory_space<semaphore_mem>>
    tpu.enqueue_indirect_dma source(%dma_start3A_113 : memref<10000x64xf32, #tpu.memory_space<hbm>>) target(%dma_start3A_103 : memref<80x64xf32, #tpu.memory_space<vmem>>) offsets(%dma_start3A_106 : memref<80xi32, #tpu.memory_space<vmem>>) semaphore(%dma_start3A_115 : memref<!tpu.dma_semaphore, #tpu.memory_space<semaphore_mem>>)
    %scan3A = arith.constant 0 : i32
    %scan3A_116 = arith.constant 49 : i32
    %scan3A_117 = arith.addi %scan3A, %scan3A_116 : i32
    %scan3A_118 = arith.constant 1 : i32
    scf.for %scan3A_366 = %scan3A to %scan3A_117 step %scan3A_118  : i32 {
      %mul3A_367 = arith.constant 5 : i32
      %mul3A_368 = arith.muli %scan3A_366, %mul3A_367 : i32
      %add3A = arith.constant 0 : i32
      %add3A_369 = arith.addi %add3A, %mul3A_368 : i32
      %add3A_370 = arith.constant 0 : i32
      %add3A_371 = arith.addi %add3A_369, %add3A_370 : i32
      %dma_wait3A_372 = arith.constant 0 : i32
      %dma_wait3A_373 = arith.constant 0 : i32
      %dma_wait3A_374 = arith.constant 0 : i32
      %dma_wait3A_375 = arith.constant 0 : i32
      %dma_wait3A_376 = tpu.memref_slice %arg8[%dma_wait3A_372, %dma_wait3A_374, %dma_wait3A_375] : memref<5x80x64xf32, #tpu.memory_space<vmem>> -> memref<1x80x64xf32, #tpu.memory_space<vmem>>
      %dma_wait3A_377 = tpu.memref_squeeze %dma_wait3A_376 : memref<1x80x64xf32, #tpu.memory_space<vmem>> -> memref<80x64xf32, #tpu.memory_space<vmem>>
      %dma_wait3A_378 = arith.constant 0 : i32
      %dma_wait3A_379 = tpu.memref_slice %arg6[%add3A_371, %dma_wait3A_378] : memref<250x80xi32, #tpu.memory_space<vmem>> -> memref<1x80xi32, #tpu.memory_space<vmem>>
      %dma_wait3A_380 = tpu.memref_squeeze %dma_wait3A_379 : memref<1x80xi32, #tpu.memory_space<vmem>> -> memref<80xi32, #tpu.memory_space<vmem>>
      %dma_wait3A_381 = arith.constant 0 : i32
      %dma_wait3A_382 = arith.constant 0 : i32
      %dma_wait3A_383 = tpu.memref_slice %arg2[%arg0, %dma_wait3A_381, %dma_wait3A_382] : memref<2x10000x64xf32, #tpu.memory_space<hbm>> -> memref<1x10000x64xf32, #tpu.memory_space<hbm>>
      %dma_wait3A_384 = tpu.memref_squeeze %dma_wait3A_383 : memref<1x10000x64xf32, #tpu.memory_space<hbm>> -> memref<10000x64xf32, #tpu.memory_space<hbm>>
      %dma_wait3A_385 = arith.constant 0 : i32
      %dma_wait3A_386 = arith.constant 0 : i32
      %dma_wait3A_387 = tpu.memref_slice %dma_wait3A_384[%dma_wait3A_385, %dma_wait3A_386] : memref<10000x64xf32, #tpu.memory_space<hbm>> -> memref<10000x64xf32, #tpu.memory_space<hbm>>
      %dma_wait3A_388 = tpu.memref_slice %arg10[%dma_wait3A_373] : memref<5x!tpu.dma_semaphore, #tpu.memory_space<semaphore_mem>> -> memref<1x!tpu.dma_semaphore, #tpu.memory_space<semaphore_mem>>
      %dma_wait3A_389 = tpu.memref_squeeze %dma_wait3A_388 : memref<1x!tpu.dma_semaphore, #tpu.memory_space<semaphore_mem>> -> memref<!tpu.dma_semaphore, #tpu.memory_space<semaphore_mem>>
      tpu.wait_indirect_dma semaphore(%dma_wait3A_389 : memref<!tpu.dma_semaphore, #tpu.memory_space<semaphore_mem>>) src(%dma_wait3A_387 : memref<10000x64xf32, #tpu.memory_space<hbm>>) dst(%dma_wait3A_377 : memref<80x64xf32, #tpu.memory_space<vmem>>)
      %add3A_390 = arith.constant 0 : i32
      %add3A_391 = arith.addi %add3A_369, %add3A_390 : i32
      %dma_start3A_392 = arith.constant 0 : i32
      %dma_start3A_393 = arith.constant 0 : i32
      %dma_start3A_394 = arith.constant 0 : i32
      %dma_start3A_395 = arith.constant 0 : i32
      %dma_start3A_396 = tpu.memref_slice %arg8[%dma_start3A_392, %dma_start3A_394, %dma_start3A_395] : memref<5x80x64xf32, #tpu.memory_space<vmem>> -> memref<1x80x64xf32, #tpu.memory_space<vmem>>
      %dma_start3A_397 = tpu.memref_squeeze %dma_start3A_396 : memref<1x80x64xf32, #tpu.memory_space<vmem>> -> memref<80x64xf32, #tpu.memory_space<vmem>>
      %dma_start3A_398 = arith.constant 0 : i32
      %dma_start3A_399 = tpu.memref_slice %arg7[%add3A_391, %dma_start3A_398] : memref<250x80xi32, #tpu.memory_space<vmem>> -> memref<1x80xi32, #tpu.memory_space<vmem>>
      %dma_start3A_400 = tpu.memref_squeeze %dma_start3A_399 : memref<1x80xi32, #tpu.memory_space<vmem>> -> memref<80xi32, #tpu.memory_space<vmem>>
      %dma_start3A_401 = arith.constant 0 : i32
      %dma_start3A_402 = arith.constant 0 : i32
      %dma_start3A_403 = tpu.memref_slice %arg9[%dma_start3A_401, %dma_start3A_402] : memref<10000x64xf32, #tpu.memory_space<vmem_shared>> -> memref<10000x64xf32, #tpu.memory_space<vmem_shared>>
      %dma_start3A_404 = tpu.memref_slice %arg11[%dma_start3A_393] : memref<5x!tpu.dma_semaphore, #tpu.memory_space<semaphore_mem>> -> memref<1x!tpu.dma_semaphore, #tpu.memory_space<semaphore_mem>>
      %dma_start3A_405 = tpu.memref_squeeze %dma_start3A_404 : memref<1x!tpu.dma_semaphore, #tpu.memory_space<semaphore_mem>> -> memref<!tpu.dma_semaphore, #tpu.memory_space<semaphore_mem>>
      tpu.enqueue_indirect_dma source(%dma_start3A_397 : memref<80x64xf32, #tpu.memory_space<vmem>>) target(%dma_start3A_403 : memref<10000x64xf32, #tpu.memory_space<vmem_shared>>) offsets(%dma_start3A_400 : memref<80xi32, #tpu.memory_space<vmem>>) semaphore(%dma_start3A_405 : memref<!tpu.dma_semaphore, #tpu.memory_space<semaphore_mem>>) {add = true}
      %add3A_406 = arith.constant 1 : i32
      %add3A_407 = arith.addi %add3A_369, %add3A_406 : i32
      %dma_wait3A_408 = arith.constant 1 : i32
      %dma_wait3A_409 = arith.constant 1 : i32
      %dma_wait3A_410 = arith.constant 0 : i32
      %dma_wait3A_411 = arith.constant 0 : i32
      %dma_wait3A_412 = tpu.memref_slice %arg8[%dma_wait3A_408, %dma_wait3A_410, %dma_wait3A_411] : memref<5x80x64xf32, #tpu.memory_space<vmem>> -> memref<1x80x64xf32, #tpu.memory_space<vmem>>
      %dma_wait3A_413 = tpu.memref_squeeze %dma_wait3A_412 : memref<1x80x64xf32, #tpu.memory_space<vmem>> -> memref<80x64xf32, #tpu.memory_space<vmem>>
      %dma_wait3A_414 = arith.constant 0 : i32
      %dma_wait3A_415 = tpu.memref_slice %arg6[%add3A_407, %dma_wait3A_414] : memref<250x80xi32, #tpu.memory_space<vmem>> -> memref<1x80xi32, #tpu.memory_space<vmem>>
      %dma_wait3A_416 = tpu.memref_squeeze %dma_wait3A_415 : memref<1x80xi32, #tpu.memory_space<vmem>> -> memref<80xi32, #tpu.memory_space<vmem>>
      %dma_wait3A_417 = arith.constant 0 : i32
      %dma_wait3A_418 = arith.constant 0 : i32
      %dma_wait3A_419 = tpu.memref_slice %arg2[%arg0, %dma_wait3A_417, %dma_wait3A_418] : memref<2x10000x64xf32, #tpu.memory_space<hbm>> -> memref<1x10000x64xf32, #tpu.memory_space<hbm>>
      %dma_wait3A_420 = tpu.memref_squeeze %dma_wait3A_419 : memref<1x10000x64xf32, #tpu.memory_space<hbm>> -> memref<10000x64xf32, #tpu.memory_space<hbm>>
      %dma_wait3A_421 = arith.constant 0 : i32
      %dma_wait3A_422 = arith.constant 0 : i32
      %dma_wait3A_423 = tpu.memref_slice %dma_wait3A_420[%dma_wait3A_421, %dma_wait3A_422] : memref<10000x64xf32, #tpu.memory_space<hbm>> -> memref<10000x64xf32, #tpu.memory_space<hbm>>
      %dma_wait3A_424 = tpu.memref_slice %arg10[%dma_wait3A_409] : memref<5x!tpu.dma_semaphore, #tpu.memory_space<semaphore_mem>> -> memref<1x!tpu.dma_semaphore, #tpu.memory_space<semaphore_mem>>
      %dma_wait3A_425 = tpu.memref_squeeze %dma_wait3A_424 : memref<1x!tpu.dma_semaphore, #tpu.memory_space<semaphore_mem>> -> memref<!tpu.dma_semaphore, #tpu.memory_space<semaphore_mem>>
      tpu.wait_indirect_dma semaphore(%dma_wait3A_425 : memref<!tpu.dma_semaphore, #tpu.memory_space<semaphore_mem>>) src(%dma_wait3A_423 : memref<10000x64xf32, #tpu.memory_space<hbm>>) dst(%dma_wait3A_413 : memref<80x64xf32, #tpu.memory_space<vmem>>)
      %add3A_426 = arith.constant 1 : i32
      %add3A_427 = arith.addi %add3A_369, %add3A_426 : i32
      %dma_start3A_428 = arith.constant 1 : i32
      %dma_start3A_429 = arith.constant 1 : i32
      %dma_start3A_430 = arith.constant 0 : i32
      %dma_start3A_431 = arith.constant 0 : i32
      %dma_start3A_432 = tpu.memref_slice %arg8[%dma_start3A_428, %dma_start3A_430, %dma_start3A_431] : memref<5x80x64xf32, #tpu.memory_space<vmem>> -> memref<1x80x64xf32, #tpu.memory_space<vmem>>
      %dma_start3A_433 = tpu.memref_squeeze %dma_start3A_432 : memref<1x80x64xf32, #tpu.memory_space<vmem>> -> memref<80x64xf32, #tpu.memory_space<vmem>>
      %dma_start3A_434 = arith.constant 0 : i32
      %dma_start3A_435 = tpu.memref_slice %arg7[%add3A_427, %dma_start3A_434] : memref<250x80xi32, #tpu.memory_space<vmem>> -> memref<1x80xi32, #tpu.memory_space<vmem>>
      %dma_start3A_436 = tpu.memref_squeeze %dma_start3A_435 : memref<1x80xi32, #tpu.memory_space<vmem>> -> memref<80xi32, #tpu.memory_space<vmem>>
      %dma_start3A_437 = arith.constant 0 : i32
      %dma_start3A_438 = arith.constant 0 : i32
      %dma_start3A_439 = tpu.memref_slice %arg9[%dma_start3A_437, %dma_start3A_438] : memref<10000x64xf32, #tpu.memory_space<vmem_shared>> -> memref<10000x64xf32, #tpu.memory_space<vmem_shared>>
      %dma_start3A_440 = tpu.memref_slice %arg11[%dma_start3A_429] : memref<5x!tpu.dma_semaphore, #tpu.memory_space<semaphore_mem>> -> memref<1x!tpu.dma_semaphore, #tpu.memory_space<semaphore_mem>>
      %dma_start3A_441 = tpu.memref_squeeze %dma_start3A_440 : memref<1x!tpu.dma_semaphore, #tpu.memory_space<semaphore_mem>> -> memref<!tpu.dma_semaphore, #tpu.memory_space<semaphore_mem>>
      tpu.enqueue_indirect_dma source(%dma_start3A_433 : memref<80x64xf32, #tpu.memory_space<vmem>>) target(%dma_start3A_439 : memref<10000x64xf32, #tpu.memory_space<vmem_shared>>) offsets(%dma_start3A_436 : memref<80xi32, #tpu.memory_space<vmem>>) semaphore(%dma_start3A_441 : memref<!tpu.dma_semaphore, #tpu.memory_space<semaphore_mem>>) {add = true}
      %add3A_442 = arith.constant 2 : i32
      %add3A_443 = arith.addi %add3A_369, %add3A_442 : i32
      %dma_wait3A_444 = arith.constant 2 : i32
      %dma_wait3A_445 = arith.constant 2 : i32
      %dma_wait3A_446 = arith.constant 0 : i32
      %dma_wait3A_447 = arith.constant 0 : i32
      %dma_wait3A_448 = tpu.memref_slice %arg8[%dma_wait3A_444, %dma_wait3A_446, %dma_wait3A_447] : memref<5x80x64xf32, #tpu.memory_space<vmem>> -> memref<1x80x64xf32, #tpu.memory_space<vmem>>
      %dma_wait3A_449 = tpu.memref_squeeze %dma_wait3A_448 : memref<1x80x64xf32, #tpu.memory_space<vmem>> -> memref<80x64xf32, #tpu.memory_space<vmem>>
      %dma_wait3A_450 = arith.constant 0 : i32
      %dma_wait3A_451 = tpu.memref_slice %arg6[%add3A_443, %dma_wait3A_450] : memref<250x80xi32, #tpu.memory_space<vmem>> -> memref<1x80xi32, #tpu.memory_space<vmem>>
      %dma_wait3A_452 = tpu.memref_squeeze %dma_wait3A_451 : memref<1x80xi32, #tpu.memory_space<vmem>> -> memref<80xi32, #tpu.memory_space<vmem>>
      %dma_wait3A_453 = arith.constant 0 : i32
      %dma_wait3A_454 = arith.constant 0 : i32
      %dma_wait3A_455 = tpu.memref_slice %arg2[%arg0, %dma_wait3A_453, %dma_wait3A_454] : memref<2x10000x64xf32, #tpu.memory_space<hbm>> -> memref<1x10000x64xf32, #tpu.memory_space<hbm>>
      %dma_wait3A_456 = tpu.memref_squeeze %dma_wait3A_455 : memref<1x10000x64xf32, #tpu.memory_space<hbm>> -> memref<10000x64xf32, #tpu.memory_space<hbm>>
      %dma_wait3A_457 = arith.constant 0 : i32
      %dma_wait3A_458 = arith.constant 0 : i32
      %dma_wait3A_459 = tpu.memref_slice %dma_wait3A_456[%dma_wait3A_457, %dma_wait3A_458] : memref<10000x64xf32, #tpu.memory_space<hbm>> -> memref<10000x64xf32, #tpu.memory_space<hbm>>
      %dma_wait3A_460 = tpu.memref_slice %arg10[%dma_wait3A_445] : memref<5x!tpu.dma_semaphore, #tpu.memory_space<semaphore_mem>> -> memref<1x!tpu.dma_semaphore, #tpu.memory_space<semaphore_mem>>
      %dma_wait3A_461 = tpu.memref_squeeze %dma_wait3A_460 : memref<1x!tpu.dma_semaphore, #tpu.memory_space<semaphore_mem>> -> memref<!tpu.dma_semaphore, #tpu.memory_space<semaphore_mem>>
      tpu.wait_indirect_dma semaphore(%dma_wait3A_461 : memref<!tpu.dma_semaphore, #tpu.memory_space<semaphore_mem>>) src(%dma_wait3A_459 : memref<10000x64xf32, #tpu.memory_space<hbm>>) dst(%dma_wait3A_449 : memref<80x64xf32, #tpu.memory_space<vmem>>)
      %add3A_462 = arith.constant 2 : i32
      %add3A_463 = arith.addi %add3A_369, %add3A_462 : i32
      %dma_start3A_464 = arith.constant 2 : i32
      %dma_start3A_465 = arith.constant 2 : i32
      %dma_start3A_466 = arith.constant 0 : i32
      %dma_start3A_467 = arith.constant 0 : i32
      %dma_start3A_468 = tpu.memref_slice %arg8[%dma_start3A_464, %dma_start3A_466, %dma_start3A_467] : memref<5x80x64xf32, #tpu.memory_space<vmem>> -> memref<1x80x64xf32, #tpu.memory_space<vmem>>
      %dma_start3A_469 = tpu.memref_squeeze %dma_start3A_468 : memref<1x80x64xf32, #tpu.memory_space<vmem>> -> memref<80x64xf32, #tpu.memory_space<vmem>>
      %dma_start3A_470 = arith.constant 0 : i32
      %dma_start3A_471 = tpu.memref_slice %arg7[%add3A_463, %dma_start3A_470] : memref<250x80xi32, #tpu.memory_space<vmem>> -> memref<1x80xi32, #tpu.memory_space<vmem>>
      %dma_start3A_472 = tpu.memref_squeeze %dma_start3A_471 : memref<1x80xi32, #tpu.memory_space<vmem>> -> memref<80xi32, #tpu.memory_space<vmem>>
      %dma_start3A_473 = arith.constant 0 : i32
      %dma_start3A_474 = arith.constant 0 : i32
      %dma_start3A_475 = tpu.memref_slice %arg9[%dma_start3A_473, %dma_start3A_474] : memref<10000x64xf32, #tpu.memory_space<vmem_shared>> -> memref<10000x64xf32, #tpu.memory_space<vmem_shared>>
      %dma_start3A_476 = tpu.memref_slice %arg11[%dma_start3A_465] : memref<5x!tpu.dma_semaphore, #tpu.memory_space<semaphore_mem>> -> memref<1x!tpu.dma_semaphore, #tpu.memory_space<semaphore_mem>>
      %dma_start3A_477 = tpu.memref_squeeze %dma_start3A_476 : memref<1x!tpu.dma_semaphore, #tpu.memory_space<semaphore_mem>> -> memref<!tpu.dma_semaphore, #tpu.memory_space<semaphore_mem>>
      tpu.enqueue_indirect_dma source(%dma_start3A_469 : memref<80x64xf32, #tpu.memory_space<vmem>>) target(%dma_start3A_475 : memref<10000x64xf32, #tpu.memory_space<vmem_shared>>) offsets(%dma_start3A_472 : memref<80xi32, #tpu.memory_space<vmem>>) semaphore(%dma_start3A_477 : memref<!tpu.dma_semaphore, #tpu.memory_space<semaphore_mem>>) {add = true}
      %add3A_478 = arith.constant 3 : i32
      %add3A_479 = arith.addi %add3A_369, %add3A_478 : i32
      %dma_wait3A_480 = arith.constant 3 : i32
      %dma_wait3A_481 = arith.constant 3 : i32
      %dma_wait3A_482 = arith.constant 0 : i32
      %dma_wait3A_483 = arith.constant 0 : i32
      %dma_wait3A_484 = tpu.memref_slice %arg8[%dma_wait3A_480, %dma_wait3A_482, %dma_wait3A_483] : memref<5x80x64xf32, #tpu.memory_space<vmem>> -> memref<1x80x64xf32, #tpu.memory_space<vmem>>
      %dma_wait3A_485 = tpu.memref_squeeze %dma_wait3A_484 : memref<1x80x64xf32, #tpu.memory_space<vmem>> -> memref<80x64xf32, #tpu.memory_space<vmem>>
      %dma_wait3A_486 = arith.constant 0 : i32
      %dma_wait3A_487 = tpu.memref_slice %arg6[%add3A_479, %dma_wait3A_486] : memref<250x80xi32, #tpu.memory_space<vmem>> -> memref<1x80xi32, #tpu.memory_space<vmem>>
      %dma_wait3A_488 = tpu.memref_squeeze %dma_wait3A_487 : memref<1x80xi32, #tpu.memory_space<vmem>> -> memref<80xi32, #tpu.memory_space<vmem>>
      %dma_wait3A_489 = arith.constant 0 : i32
      %dma_wait3A_490 = arith.constant 0 : i32
      %dma_wait3A_491 = tpu.memref_slice %arg2[%arg0, %dma_wait3A_489, %dma_wait3A_490] : memref<2x10000x64xf32, #tpu.memory_space<hbm>> -> memref<1x10000x64xf32, #tpu.memory_space<hbm>>
      %dma_wait3A_492 = tpu.memref_squeeze %dma_wait3A_491 : memref<1x10000x64xf32, #tpu.memory_space<hbm>> -> memref<10000x64xf32, #tpu.memory_space<hbm>>
      %dma_wait3A_493 = arith.constant 0 : i32
      %dma_wait3A_494 = arith.constant 0 : i32
      %dma_wait3A_495 = tpu.memref_slice %dma_wait3A_492[%dma_wait3A_493, %dma_wait3A_494] : memref<10000x64xf32, #tpu.memory_space<hbm>> -> memref<10000x64xf32, #tpu.memory_space<hbm>>
      %dma_wait3A_496 = tpu.memref_slice %arg10[%dma_wait3A_481] : memref<5x!tpu.dma_semaphore, #tpu.memory_space<semaphore_mem>> -> memref<1x!tpu.dma_semaphore, #tpu.memory_space<semaphore_mem>>
      %dma_wait3A_497 = tpu.memref_squeeze %dma_wait3A_496 : memref<1x!tpu.dma_semaphore, #tpu.memory_space<semaphore_mem>> -> memref<!tpu.dma_semaphore, #tpu.memory_space<semaphore_mem>>
      tpu.wait_indirect_dma semaphore(%dma_wait3A_497 : memref<!tpu.dma_semaphore, #tpu.memory_space<semaphore_mem>>) src(%dma_wait3A_495 : memref<10000x64xf32, #tpu.memory_space<hbm>>) dst(%dma_wait3A_485 : memref<80x64xf32, #tpu.memory_space<vmem>>)
      %add3A_498 = arith.constant 3 : i32
      %add3A_499 = arith.addi %add3A_369, %add3A_498 : i32
      %dma_start3A_500 = arith.constant 3 : i32
      %dma_start3A_501 = arith.constant 3 : i32
      %dma_start3A_502 = arith.constant 0 : i32
      %dma_start3A_503 = arith.constant 0 : i32
      %dma_start3A_504 = tpu.memref_slice %arg8[%dma_start3A_500, %dma_start3A_502, %dma_start3A_503] : memref<5x80x64xf32, #tpu.memory_space<vmem>> -> memref<1x80x64xf32, #tpu.memory_space<vmem>>
      %dma_start3A_505 = tpu.memref_squeeze %dma_start3A_504 : memref<1x80x64xf32, #tpu.memory_space<vmem>> -> memref<80x64xf32, #tpu.memory_space<vmem>>
      %dma_start3A_506 = arith.constant 0 : i32
      %dma_start3A_507 = tpu.memref_slice %arg7[%add3A_499, %dma_start3A_506] : memref<250x80xi32, #tpu.memory_space<vmem>> -> memref<1x80xi32, #tpu.memory_space<vmem>>
      %dma_start3A_508 = tpu.memref_squeeze %dma_start3A_507 : memref<1x80xi32, #tpu.memory_space<vmem>> -> memref<80xi32, #tpu.memory_space<vmem>>
      %dma_start3A_509 = arith.constant 0 : i32
      %dma_start3A_510 = arith.constant 0 : i32
      %dma_start3A_511 = tpu.memref_slice %arg9[%dma_start3A_509, %dma_start3A_510] : memref<10000x64xf32, #tpu.memory_space<vmem_shared>> -> memref<10000x64xf32, #tpu.memory_space<vmem_shared>>
      %dma_start3A_512 = tpu.memref_slice %arg11[%dma_start3A_501] : memref<5x!tpu.dma_semaphore, #tpu.memory_space<semaphore_mem>> -> memref<1x!tpu.dma_semaphore, #tpu.memory_space<semaphore_mem>>
      %dma_start3A_513 = tpu.memref_squeeze %dma_start3A_512 : memref<1x!tpu.dma_semaphore, #tpu.memory_space<semaphore_mem>> -> memref<!tpu.dma_semaphore, #tpu.memory_space<semaphore_mem>>
      tpu.enqueue_indirect_dma source(%dma_start3A_505 : memref<80x64xf32, #tpu.memory_space<vmem>>) target(%dma_start3A_511 : memref<10000x64xf32, #tpu.memory_space<vmem_shared>>) offsets(%dma_start3A_508 : memref<80xi32, #tpu.memory_space<vmem>>) semaphore(%dma_start3A_513 : memref<!tpu.dma_semaphore, #tpu.memory_space<semaphore_mem>>) {add = true}
      %add3A_514 = arith.constant 4 : i32
      %add3A_515 = arith.addi %add3A_369, %add3A_514 : i32
      %dma_wait3A_516 = arith.constant 4 : i32
      %dma_wait3A_517 = arith.constant 4 : i32
      %dma_wait3A_518 = arith.constant 0 : i32
      %dma_wait3A_519 = arith.constant 0 : i32
      %dma_wait3A_520 = tpu.memref_slice %arg8[%dma_wait3A_516, %dma_wait3A_518, %dma_wait3A_519] : memref<5x80x64xf32, #tpu.memory_space<vmem>> -> memref<1x80x64xf32, #tpu.memory_space<vmem>>
      %dma_wait3A_521 = tpu.memref_squeeze %dma_wait3A_520 : memref<1x80x64xf32, #tpu.memory_space<vmem>> -> memref<80x64xf32, #tpu.memory_space<vmem>>
      %dma_wait3A_522 = arith.constant 0 : i32
      %dma_wait3A_523 = tpu.memref_slice %arg6[%add3A_515, %dma_wait3A_522] : memref<250x80xi32, #tpu.memory_space<vmem>> -> memref<1x80xi32, #tpu.memory_space<vmem>>
      %dma_wait3A_524 = tpu.memref_squeeze %dma_wait3A_523 : memref<1x80xi32, #tpu.memory_space<vmem>> -> memref<80xi32, #tpu.memory_space<vmem>>
      %dma_wait3A_525 = arith.constant 0 : i32
      %dma_wait3A_526 = arith.constant 0 : i32
      %dma_wait3A_527 = tpu.memref_slice %arg2[%arg0, %dma_wait3A_525, %dma_wait3A_526] : memref<2x10000x64xf32, #tpu.memory_space<hbm>> -> memref<1x10000x64xf32, #tpu.memory_space<hbm>>
      %dma_wait3A_528 = tpu.memref_squeeze %dma_wait3A_527 : memref<1x10000x64xf32, #tpu.memory_space<hbm>> -> memref<10000x64xf32, #tpu.memory_space<hbm>>
      %dma_wait3A_529 = arith.constant 0 : i32
      %dma_wait3A_530 = arith.constant 0 : i32
      %dma_wait3A_531 = tpu.memref_slice %dma_wait3A_528[%dma_wait3A_529, %dma_wait3A_530] : memref<10000x64xf32, #tpu.memory_space<hbm>> -> memref<10000x64xf32, #tpu.memory_space<hbm>>
      %dma_wait3A_532 = tpu.memref_slice %arg10[%dma_wait3A_517] : memref<5x!tpu.dma_semaphore, #tpu.memory_space<semaphore_mem>> -> memref<1x!tpu.dma_semaphore, #tpu.memory_space<semaphore_mem>>
      %dma_wait3A_533 = tpu.memref_squeeze %dma_wait3A_532 : memref<1x!tpu.dma_semaphore, #tpu.memory_space<semaphore_mem>> -> memref<!tpu.dma_semaphore, #tpu.memory_space<semaphore_mem>>
      tpu.wait_indirect_dma semaphore(%dma_wait3A_533 : memref<!tpu.dma_semaphore, #tpu.memory_space<semaphore_mem>>) src(%dma_wait3A_531 : memref<10000x64xf32, #tpu.memory_space<hbm>>) dst(%dma_wait3A_521 : memref<80x64xf32, #tpu.memory_space<vmem>>)
      %add3A_534 = arith.constant 4 : i32
      %add3A_535 = arith.addi %add3A_369, %add3A_534 : i32
      %dma_start3A_536 = arith.constant 4 : i32
      %dma_start3A_537 = arith.constant 4 : i32
      %dma_start3A_538 = arith.constant 0 : i32
      %dma_start3A_539 = arith.constant 0 : i32
      %dma_start3A_540 = tpu.memref_slice %arg8[%dma_start3A_536, %dma_start3A_538, %dma_start3A_539] : memref<5x80x64xf32, #tpu.memory_space<vmem>> -> memref<1x80x64xf32, #tpu.memory_space<vmem>>
      %dma_start3A_541 = tpu.memref_squeeze %dma_start3A_540 : memref<1x80x64xf32, #tpu.memory_space<vmem>> -> memref<80x64xf32, #tpu.memory_space<vmem>>
      %dma_start3A_542 = arith.constant 0 : i32
      %dma_start3A_543 = tpu.memref_slice %arg7[%add3A_535, %dma_start3A_542] : memref<250x80xi32, #tpu.memory_space<vmem>> -> memref<1x80xi32, #tpu.memory_space<vmem>>
      %dma_start3A_544 = tpu.memref_squeeze %dma_start3A_543 : memref<1x80xi32, #tpu.memory_space<vmem>> -> memref<80xi32, #tpu.memory_space<vmem>>
      %dma_start3A_545 = arith.constant 0 : i32
      %dma_start3A_546 = arith.constant 0 : i32
      %dma_start3A_547 = tpu.memref_slice %arg9[%dma_start3A_545, %dma_start3A_546] : memref<10000x64xf32, #tpu.memory_space<vmem_shared>> -> memref<10000x64xf32, #tpu.memory_space<vmem_shared>>
      %dma_start3A_548 = tpu.memref_slice %arg11[%dma_start3A_537] : memref<5x!tpu.dma_semaphore, #tpu.memory_space<semaphore_mem>> -> memref<1x!tpu.dma_semaphore, #tpu.memory_space<semaphore_mem>>
      %dma_start3A_549 = tpu.memref_squeeze %dma_start3A_548 : memref<1x!tpu.dma_semaphore, #tpu.memory_space<semaphore_mem>> -> memref<!tpu.dma_semaphore, #tpu.memory_space<semaphore_mem>>
      tpu.enqueue_indirect_dma source(%dma_start3A_541 : memref<80x64xf32, #tpu.memory_space<vmem>>) target(%dma_start3A_547 : memref<10000x64xf32, #tpu.memory_space<vmem_shared>>) offsets(%dma_start3A_544 : memref<80xi32, #tpu.memory_space<vmem>>) semaphore(%dma_start3A_549 : memref<!tpu.dma_semaphore, #tpu.memory_space<semaphore_mem>>) {add = true}
      %add3A_550 = arith.constant 0 : i32
      %add3A_551 = arith.addi %add3A_369, %add3A_550 : i32
      %dma_wait3A_552 = arith.constant 0 : i32
      %dma_wait3A_553 = arith.constant 0 : i32
      %dma_wait3A_554 = arith.constant 0 : i32
      %dma_wait3A_555 = arith.constant 0 : i32
      %dma_wait3A_556 = tpu.memref_slice %arg8[%dma_wait3A_552, %dma_wait3A_554, %dma_wait3A_555] : memref<5x80x64xf32, #tpu.memory_space<vmem>> -> memref<1x80x64xf32, #tpu.memory_space<vmem>>
      %dma_wait3A_557 = tpu.memref_squeeze %dma_wait3A_556 : memref<1x80x64xf32, #tpu.memory_space<vmem>> -> memref<80x64xf32, #tpu.memory_space<vmem>>
      %dma_wait3A_558 = arith.constant 0 : i32
      %dma_wait3A_559 = tpu.memref_slice %arg7[%add3A_551, %dma_wait3A_558] : memref<250x80xi32, #tpu.memory_space<vmem>> -> memref<1x80xi32, #tpu.memory_space<vmem>>
      %dma_wait3A_560 = tpu.memref_squeeze %dma_wait3A_559 : memref<1x80xi32, #tpu.memory_space<vmem>> -> memref<80xi32, #tpu.memory_space<vmem>>
      %dma_wait3A_561 = arith.constant 0 : i32
      %dma_wait3A_562 = arith.constant 0 : i32
      %dma_wait3A_563 = tpu.memref_slice %arg9[%dma_wait3A_561, %dma_wait3A_562] : memref<10000x64xf32, #tpu.memory_space<vmem_shared>> -> memref<10000x64xf32, #tpu.memory_space<vmem_shared>>
      %dma_wait3A_564 = tpu.memref_slice %arg11[%dma_wait3A_553] : memref<5x!tpu.dma_semaphore, #tpu.memory_space<semaphore_mem>> -> memref<1x!tpu.dma_semaphore, #tpu.memory_space<semaphore_mem>>
      %dma_wait3A_565 = tpu.memref_squeeze %dma_wait3A_564 : memref<1x!tpu.dma_semaphore, #tpu.memory_space<semaphore_mem>> -> memref<!tpu.dma_semaphore, #tpu.memory_space<semaphore_mem>>
      tpu.wait_indirect_dma semaphore(%dma_wait3A_565 : memref<!tpu.dma_semaphore, #tpu.memory_space<semaphore_mem>>) src(%dma_wait3A_557 : memref<80x64xf32, #tpu.memory_space<vmem>>) dst(%dma_wait3A_563 : memref<10000x64xf32, #tpu.memory_space<vmem_shared>>)
      %add3A_566 = arith.constant 5 : i32
      %add3A_567 = arith.addi %add3A_369, %add3A_566 : i32
      %add3A_568 = arith.constant 0 : i32
      %add3A_569 = arith.addi %add3A_567, %add3A_568 : i32
      %dma_start3A_570 = arith.constant 0 : i32
      %dma_start3A_571 = arith.constant 0 : i32
      %dma_start3A_572 = arith.constant 0 : i32
      %dma_start3A_573 = arith.constant 0 : i32
      %dma_start3A_574 = tpu.memref_slice %arg8[%dma_start3A_570, %dma_start3A_572, %dma_start3A_573] : memref<5x80x64xf32, #tpu.memory_space<vmem>> -> memref<1x80x64xf32, #tpu.memory_space<vmem>>
      %dma_start3A_575 = tpu.memref_squeeze %dma_start3A_574 : memref<1x80x64xf32, #tpu.memory_space<vmem>> -> memref<80x64xf32, #tpu.memory_space<vmem>>
      %dma_start3A_576 = arith.constant 0 : i32
      %dma_start3A_577 = tpu.memref_slice %arg6[%add3A_569, %dma_start3A_576] : memref<250x80xi32, #tpu.memory_space<vmem>> -> memref<1x80xi32, #tpu.memory_space<vmem>>
      %dma_start3A_578 = tpu.memref_squeeze %dma_start3A_577 : memref<1x80xi32, #tpu.memory_space<vmem>> -> memref<80xi32, #tpu.memory_space<vmem>>
      %dma_start3A_579 = arith.constant 0 : i32
      %dma_start3A_580 = arith.constant 0 : i32
      %dma_start3A_581 = tpu.memref_slice %arg2[%arg0, %dma_start3A_579, %dma_start3A_580] : memref<2x10000x64xf32, #tpu.memory_space<hbm>> -> memref<1x10000x64xf32, #tpu.memory_space<hbm>>
      %dma_start3A_582 = tpu.memref_squeeze %dma_start3A_581 : memref<1x10000x64xf32, #tpu.memory_space<hbm>> -> memref<10000x64xf32, #tpu.memory_space<hbm>>
      %dma_start3A_583 = arith.constant 0 : i32
      %dma_start3A_584 = arith.constant 0 : i32
      %dma_start3A_585 = tpu.memref_slice %dma_start3A_582[%dma_start3A_583, %dma_start3A_584] : memref<10000x64xf32, #tpu.memory_space<hbm>> -> memref<10000x64xf32, #tpu.memory_space<hbm>>
      %dma_start3A_586 = tpu.memref_slice %arg10[%dma_start3A_571] : memref<5x!tpu.dma_semaphore, #tpu.memory_space<semaphore_mem>> -> memref<1x!tpu.dma_semaphore, #tpu.memory_space<semaphore_mem>>
      %dma_start3A_587 = tpu.memref_squeeze %dma_start3A_586 : memref<1x!tpu.dma_semaphore, #tpu.memory_space<semaphore_mem>> -> memref<!tpu.dma_semaphore, #tpu.memory_space<semaphore_mem>>
      tpu.enqueue_indirect_dma source(%dma_start3A_585 : memref<10000x64xf32, #tpu.memory_space<hbm>>) target(%dma_start3A_575 : memref<80x64xf32, #tpu.memory_space<vmem>>) offsets(%dma_start3A_578 : memref<80xi32, #tpu.memory_space<vmem>>) semaphore(%dma_start3A_587 : memref<!tpu.dma_semaphore, #tpu.memory_space<semaphore_mem>>)
      %add3A_588 = arith.constant 1 : i32
      %add3A_589 = arith.addi %add3A_369, %add3A_588 : i32
      %dma_wait3A_590 = arith.constant 1 : i32
      %dma_wait3A_591 = arith.constant 1 : i32
      %dma_wait3A_592 = arith.constant 0 : i32
      %dma_wait3A_593 = arith.constant 0 : i32
      %dma_wait3A_594 = tpu.memref_slice %arg8[%dma_wait3A_590, %dma_wait3A_592, %dma_wait3A_593] : memref<5x80x64xf32, #tpu.memory_space<vmem>> -> memref<1x80x64xf32, #tpu.memory_space<vmem>>
      %dma_wait3A_595 = tpu.memref_squeeze %dma_wait3A_594 : memref<1x80x64xf32, #tpu.memory_space<vmem>> -> memref<80x64xf32, #tpu.memory_space<vmem>>
      %dma_wait3A_596 = arith.constant 0 : i32
      %dma_wait3A_597 = tpu.memref_slice %arg7[%add3A_589, %dma_wait3A_596] : memref<250x80xi32, #tpu.memory_space<vmem>> -> memref<1x80xi32, #tpu.memory_space<vmem>>
      %dma_wait3A_598 = tpu.memref_squeeze %dma_wait3A_597 : memref<1x80xi32, #tpu.memory_space<vmem>> -> memref<80xi32, #tpu.memory_space<vmem>>
      %dma_wait3A_599 = arith.constant 0 : i32
      %dma_wait3A_600 = arith.constant 0 : i32
      %dma_wait3A_601 = tpu.memref_slice %arg9[%dma_wait3A_599, %dma_wait3A_600] : memref<10000x64xf32, #tpu.memory_space<vmem_shared>> -> memref<10000x64xf32, #tpu.memory_space<vmem_shared>>
      %dma_wait3A_602 = tpu.memref_slice %arg11[%dma_wait3A_591] : memref<5x!tpu.dma_semaphore, #tpu.memory_space<semaphore_mem>> -> memref<1x!tpu.dma_semaphore, #tpu.memory_space<semaphore_mem>>
      %dma_wait3A_603 = tpu.memref_squeeze %dma_wait3A_602 : memref<1x!tpu.dma_semaphore, #tpu.memory_space<semaphore_mem>> -> memref<!tpu.dma_semaphore, #tpu.memory_space<semaphore_mem>>
      tpu.wait_indirect_dma semaphore(%dma_wait3A_603 : memref<!tpu.dma_semaphore, #tpu.memory_space<semaphore_mem>>) src(%dma_wait3A_595 : memref<80x64xf32, #tpu.memory_space<vmem>>) dst(%dma_wait3A_601 : memref<10000x64xf32, #tpu.memory_space<vmem_shared>>)
      %add3A_604 = arith.constant 5 : i32
      %add3A_605 = arith.addi %add3A_369, %add3A_604 : i32
      %add3A_606 = arith.constant 1 : i32
      %add3A_607 = arith.addi %add3A_605, %add3A_606 : i32
      %dma_start3A_608 = arith.constant 1 : i32
      %dma_start3A_609 = arith.constant 1 : i32
      %dma_start3A_610 = arith.constant 0 : i32
      %dma_start3A_611 = arith.constant 0 : i32
      %dma_start3A_612 = tpu.memref_slice %arg8[%dma_start3A_608, %dma_start3A_610, %dma_start3A_611] : memref<5x80x64xf32, #tpu.memory_space<vmem>> -> memref<1x80x64xf32, #tpu.memory_space<vmem>>
      %dma_start3A_613 = tpu.memref_squeeze %dma_start3A_612 : memref<1x80x64xf32, #tpu.memory_space<vmem>> -> memref<80x64xf32, #tpu.memory_space<vmem>>
      %dma_start3A_614 = arith.constant 0 : i32
      %dma_start3A_615 = tpu.memref_slice %arg6[%add3A_607, %dma_start3A_614] : memref<250x80xi32, #tpu.memory_space<vmem>> -> memref<1x80xi32, #tpu.memory_space<vmem>>
      %dma_start3A_616 = tpu.memref_squeeze %dma_start3A_615 : memref<1x80xi32, #tpu.memory_space<vmem>> -> memref<80xi32, #tpu.memory_space<vmem>>
      %dma_start3A_617 = arith.constant 0 : i32
      %dma_start3A_618 = arith.constant 0 : i32
      %dma_start3A_619 = tpu.memref_slice %arg2[%arg0, %dma_start3A_617, %dma_start3A_618] : memref<2x10000x64xf32, #tpu.memory_space<hbm>> -> memref<1x10000x64xf32, #tpu.memory_space<hbm>>
      %dma_start3A_620 = tpu.memref_squeeze %dma_start3A_619 : memref<1x10000x64xf32, #tpu.memory_space<hbm>> -> memref<10000x64xf32, #tpu.memory_space<hbm>>
      %dma_start3A_621 = arith.constant 0 : i32
      %dma_start3A_622 = arith.constant 0 : i32
      %dma_start3A_623 = tpu.memref_slice %dma_start3A_620[%dma_start3A_621, %dma_start3A_622] : memref<10000x64xf32, #tpu.memory_space<hbm>> -> memref<10000x64xf32, #tpu.memory_space<hbm>>
      %dma_start3A_624 = tpu.memref_slice %arg10[%dma_start3A_609] : memref<5x!tpu.dma_semaphore, #tpu.memory_space<semaphore_mem>> -> memref<1x!tpu.dma_semaphore, #tpu.memory_space<semaphore_mem>>
      %dma_start3A_625 = tpu.memref_squeeze %dma_start3A_624 : memref<1x!tpu.dma_semaphore, #tpu.memory_space<semaphore_mem>> -> memref<!tpu.dma_semaphore, #tpu.memory_space<semaphore_mem>>
      tpu.enqueue_indirect_dma source(%dma_start3A_623 : memref<10000x64xf32, #tpu.memory_space<hbm>>) target(%dma_start3A_613 : memref<80x64xf32, #tpu.memory_space<vmem>>) offsets(%dma_start3A_616 : memref<80xi32, #tpu.memory_space<vmem>>) semaphore(%dma_start3A_625 : memref<!tpu.dma_semaphore, #tpu.memory_space<semaphore_mem>>)
      %add3A_626 = arith.constant 2 : i32
      %add3A_627 = arith.addi %add3A_369, %add3A_626 : i32
      %dma_wait3A_628 = arith.constant 2 : i32
      %dma_wait3A_629 = arith.constant 2 : i32
      %dma_wait3A_630 = arith.constant 0 : i32
      %dma_wait3A_631 = arith.constant 0 : i32
      %dma_wait3A_632 = tpu.memref_slice %arg8[%dma_wait3A_628, %dma_wait3A_630, %dma_wait3A_631] : memref<5x80x64xf32, #tpu.memory_space<vmem>> -> memref<1x80x64xf32, #tpu.memory_space<vmem>>
      %dma_wait3A_633 = tpu.memref_squeeze %dma_wait3A_632 : memref<1x80x64xf32, #tpu.memory_space<vmem>> -> memref<80x64xf32, #tpu.memory_space<vmem>>
      %dma_wait3A_634 = arith.constant 0 : i32
      %dma_wait3A_635 = tpu.memref_slice %arg7[%add3A_627, %dma_wait3A_634] : memref<250x80xi32, #tpu.memory_space<vmem>> -> memref<1x80xi32, #tpu.memory_space<vmem>>
      %dma_wait3A_636 = tpu.memref_squeeze %dma_wait3A_635 : memref<1x80xi32, #tpu.memory_space<vmem>> -> memref<80xi32, #tpu.memory_space<vmem>>
      %dma_wait3A_637 = arith.constant 0 : i32
      %dma_wait3A_638 = arith.constant 0 : i32
      %dma_wait3A_639 = tpu.memref_slice %arg9[%dma_wait3A_637, %dma_wait3A_638] : memref<10000x64xf32, #tpu.memory_space<vmem_shared>> -> memref<10000x64xf32, #tpu.memory_space<vmem_shared>>
      %dma_wait3A_640 = tpu.memref_slice %arg11[%dma_wait3A_629] : memref<5x!tpu.dma_semaphore, #tpu.memory_space<semaphore_mem>> -> memref<1x!tpu.dma_semaphore, #tpu.memory_space<semaphore_mem>>
      %dma_wait3A_641 = tpu.memref_squeeze %dma_wait3A_640 : memref<1x!tpu.dma_semaphore, #tpu.memory_space<semaphore_mem>> -> memref<!tpu.dma_semaphore, #tpu.memory_space<semaphore_mem>>
      tpu.wait_indirect_dma semaphore(%dma_wait3A_641 : memref<!tpu.dma_semaphore, #tpu.memory_space<semaphore_mem>>) src(%dma_wait3A_633 : memref<80x64xf32, #tpu.memory_space<vmem>>) dst(%dma_wait3A_639 : memref<10000x64xf32, #tpu.memory_space<vmem_shared>>)
      %add3A_642 = arith.constant 5 : i32
      %add3A_643 = arith.addi %add3A_369, %add3A_642 : i32
      %add3A_644 = arith.constant 2 : i32
      %add3A_645 = arith.addi %add3A_643, %add3A_644 : i32
      %dma_start3A_646 = arith.constant 2 : i32
      %dma_start3A_647 = arith.constant 2 : i32
      %dma_start3A_648 = arith.constant 0 : i32
      %dma_start3A_649 = arith.constant 0 : i32
      %dma_start3A_650 = tpu.memref_slice %arg8[%dma_start3A_646, %dma_start3A_648, %dma_start3A_649] : memref<5x80x64xf32, #tpu.memory_space<vmem>> -> memref<1x80x64xf32, #tpu.memory_space<vmem>>
      %dma_start3A_651 = tpu.memref_squeeze %dma_start3A_650 : memref<1x80x64xf32, #tpu.memory_space<vmem>> -> memref<80x64xf32, #tpu.memory_space<vmem>>
      %dma_start3A_652 = arith.constant 0 : i32
      %dma_start3A_653 = tpu.memref_slice %arg6[%add3A_645, %dma_start3A_652] : memref<250x80xi32, #tpu.memory_space<vmem>> -> memref<1x80xi32, #tpu.memory_space<vmem>>
      %dma_start3A_654 = tpu.memref_squeeze %dma_start3A_653 : memref<1x80xi32, #tpu.memory_space<vmem>> -> memref<80xi32, #tpu.memory_space<vmem>>
      %dma_start3A_655 = arith.constant 0 : i32
      %dma_start3A_656 = arith.constant 0 : i32
      %dma_start3A_657 = tpu.memref_slice %arg2[%arg0, %dma_start3A_655, %dma_start3A_656] : memref<2x10000x64xf32, #tpu.memory_space<hbm>> -> memref<1x10000x64xf32, #tpu.memory_space<hbm>>
      %dma_start3A_658 = tpu.memref_squeeze %dma_start3A_657 : memref<1x10000x64xf32, #tpu.memory_space<hbm>> -> memref<10000x64xf32, #tpu.memory_space<hbm>>
      %dma_start3A_659 = arith.constant 0 : i32
      %dma_start3A_660 = arith.constant 0 : i32
      %dma_start3A_661 = tpu.memref_slice %dma_start3A_658[%dma_start3A_659, %dma_start3A_660] : memref<10000x64xf32, #tpu.memory_space<hbm>> -> memref<10000x64xf32, #tpu.memory_space<hbm>>
      %dma_start3A_662 = tpu.memref_slice %arg10[%dma_start3A_647] : memref<5x!tpu.dma_semaphore, #tpu.memory_space<semaphore_mem>> -> memref<1x!tpu.dma_semaphore, #tpu.memory_space<semaphore_mem>>
      %dma_start3A_663 = tpu.memref_squeeze %dma_start3A_662 : memref<1x!tpu.dma_semaphore, #tpu.memory_space<semaphore_mem>> -> memref<!tpu.dma_semaphore, #tpu.memory_space<semaphore_mem>>
      tpu.enqueue_indirect_dma source(%dma_start3A_661 : memref<10000x64xf32, #tpu.memory_space<hbm>>) target(%dma_start3A_651 : memref<80x64xf32, #tpu.memory_space<vmem>>) offsets(%dma_start3A_654 : memref<80xi32, #tpu.memory_space<vmem>>) semaphore(%dma_start3A_663 : memref<!tpu.dma_semaphore, #tpu.memory_space<semaphore_mem>>)
      %add3A_664 = arith.constant 3 : i32
      %add3A_665 = arith.addi %add3A_369, %add3A_664 : i32
      %dma_wait3A_666 = arith.constant 3 : i32
      %dma_wait3A_667 = arith.constant 3 : i32
      %dma_wait3A_668 = arith.constant 0 : i32
      %dma_wait3A_669 = arith.constant 0 : i32
      %dma_wait3A_670 = tpu.memref_slice %arg8[%dma_wait3A_666, %dma_wait3A_668, %dma_wait3A_669] : memref<5x80x64xf32, #tpu.memory_space<vmem>> -> memref<1x80x64xf32, #tpu.memory_space<vmem>>
      %dma_wait3A_671 = tpu.memref_squeeze %dma_wait3A_670 : memref<1x80x64xf32, #tpu.memory_space<vmem>> -> memref<80x64xf32, #tpu.memory_space<vmem>>
      %dma_wait3A_672 = arith.constant 0 : i32
      %dma_wait3A_673 = tpu.memref_slice %arg7[%add3A_665, %dma_wait3A_672] : memref<250x80xi32, #tpu.memory_space<vmem>> -> memref<1x80xi32, #tpu.memory_space<vmem>>
      %dma_wait3A_674 = tpu.memref_squeeze %dma_wait3A_673 : memref<1x80xi32, #tpu.memory_space<vmem>> -> memref<80xi32, #tpu.memory_space<vmem>>
      %dma_wait3A_675 = arith.constant 0 : i32
      %dma_wait3A_676 = arith.constant 0 : i32
      %dma_wait3A_677 = tpu.memref_slice %arg9[%dma_wait3A_675, %dma_wait3A_676] : memref<10000x64xf32, #tpu.memory_space<vmem_shared>> -> memref<10000x64xf32, #tpu.memory_space<vmem_shared>>
      %dma_wait3A_678 = tpu.memref_slice %arg11[%dma_wait3A_667] : memref<5x!tpu.dma_semaphore, #tpu.memory_space<semaphore_mem>> -> memref<1x!tpu.dma_semaphore, #tpu.memory_space<semaphore_mem>>
      %dma_wait3A_679 = tpu.memref_squeeze %dma_wait3A_678 : memref<1x!tpu.dma_semaphore, #tpu.memory_space<semaphore_mem>> -> memref<!tpu.dma_semaphore, #tpu.memory_space<semaphore_mem>>
      tpu.wait_indirect_dma semaphore(%dma_wait3A_679 : memref<!tpu.dma_semaphore, #tpu.memory_space<semaphore_mem>>) src(%dma_wait3A_671 : memref<80x64xf32, #tpu.memory_space<vmem>>) dst(%dma_wait3A_677 : memref<10000x64xf32, #tpu.memory_space<vmem_shared>>)
      %add3A_680 = arith.constant 5 : i32
      %add3A_681 = arith.addi %add3A_369, %add3A_680 : i32
      %add3A_682 = arith.constant 3 : i32
      %add3A_683 = arith.addi %add3A_681, %add3A_682 : i32
      %dma_start3A_684 = arith.constant 3 : i32
      %dma_start3A_685 = arith.constant 3 : i32
      %dma_start3A_686 = arith.constant 0 : i32
      %dma_start3A_687 = arith.constant 0 : i32
      %dma_start3A_688 = tpu.memref_slice %arg8[%dma_start3A_684, %dma_start3A_686, %dma_start3A_687] : memref<5x80x64xf32, #tpu.memory_space<vmem>> -> memref<1x80x64xf32, #tpu.memory_space<vmem>>
      %dma_start3A_689 = tpu.memref_squeeze %dma_start3A_688 : memref<1x80x64xf32, #tpu.memory_space<vmem>> -> memref<80x64xf32, #tpu.memory_space<vmem>>
      %dma_start3A_690 = arith.constant 0 : i32
      %dma_start3A_691 = tpu.memref_slice %arg6[%add3A_683, %dma_start3A_690] : memref<250x80xi32, #tpu.memory_space<vmem>> -> memref<1x80xi32, #tpu.memory_space<vmem>>
      %dma_start3A_692 = tpu.memref_squeeze %dma_start3A_691 : memref<1x80xi32, #tpu.memory_space<vmem>> -> memref<80xi32, #tpu.memory_space<vmem>>
      %dma_start3A_693 = arith.constant 0 : i32
      %dma_start3A_694 = arith.constant 0 : i32
      %dma_start3A_695 = tpu.memref_slice %arg2[%arg0, %dma_start3A_693, %dma_start3A_694] : memref<2x10000x64xf32, #tpu.memory_space<hbm>> -> memref<1x10000x64xf32, #tpu.memory_space<hbm>>
      %dma_start3A_696 = tpu.memref_squeeze %dma_start3A_695 : memref<1x10000x64xf32, #tpu.memory_space<hbm>> -> memref<10000x64xf32, #tpu.memory_space<hbm>>
      %dma_start3A_697 = arith.constant 0 : i32
      %dma_start3A_698 = arith.constant 0 : i32
      %dma_start3A_699 = tpu.memref_slice %dma_start3A_696[%dma_start3A_697, %dma_start3A_698] : memref<10000x64xf32, #tpu.memory_space<hbm>> -> memref<10000x64xf32, #tpu.memory_space<hbm>>
      %dma_start3A_700 = tpu.memref_slice %arg10[%dma_start3A_685] : memref<5x!tpu.dma_semaphore, #tpu.memory_space<semaphore_mem>> -> memref<1x!tpu.dma_semaphore, #tpu.memory_space<semaphore_mem>>
      %dma_start3A_701 = tpu.memref_squeeze %dma_start3A_700 : memref<1x!tpu.dma_semaphore, #tpu.memory_space<semaphore_mem>> -> memref<!tpu.dma_semaphore, #tpu.memory_space<semaphore_mem>>
      tpu.enqueue_indirect_dma source(%dma_start3A_699 : memref<10000x64xf32, #tpu.memory_space<hbm>>) target(%dma_start3A_689 : memref<80x64xf32, #tpu.memory_space<vmem>>) offsets(%dma_start3A_692 : memref<80xi32, #tpu.memory_space<vmem>>) semaphore(%dma_start3A_701 : memref<!tpu.dma_semaphore, #tpu.memory_space<semaphore_mem>>)
      %add3A_702 = arith.constant 4 : i32
      %add3A_703 = arith.addi %add3A_369, %add3A_702 : i32
      %dma_wait3A_704 = arith.constant 4 : i32
      %dma_wait3A_705 = arith.constant 4 : i32
      %dma_wait3A_706 = arith.constant 0 : i32
      %dma_wait3A_707 = arith.constant 0 : i32
      %dma_wait3A_708 = tpu.memref_slice %arg8[%dma_wait3A_704, %dma_wait3A_706, %dma_wait3A_707] : memref<5x80x64xf32, #tpu.memory_space<vmem>> -> memref<1x80x64xf32, #tpu.memory_space<vmem>>
      %dma_wait3A_709 = tpu.memref_squeeze %dma_wait3A_708 : memref<1x80x64xf32, #tpu.memory_space<vmem>> -> memref<80x64xf32, #tpu.memory_space<vmem>>
      %dma_wait3A_710 = arith.constant 0 : i32
      %dma_wait3A_711 = tpu.memref_slice %arg7[%add3A_703, %dma_wait3A_710] : memref<250x80xi32, #tpu.memory_space<vmem>> -> memref<1x80xi32, #tpu.memory_space<vmem>>
      %dma_wait3A_712 = tpu.memref_squeeze %dma_wait3A_711 : memref<1x80xi32, #tpu.memory_space<vmem>> -> memref<80xi32, #tpu.memory_space<vmem>>
      %dma_wait3A_713 = arith.constant 0 : i32
      %dma_wait3A_714 = arith.constant 0 : i32
      %dma_wait3A_715 = tpu.memref_slice %arg9[%dma_wait3A_713, %dma_wait3A_714] : memref<10000x64xf32, #tpu.memory_space<vmem_shared>> -> memref<10000x64xf32, #tpu.memory_space<vmem_shared>>
      %dma_wait3A_716 = tpu.memref_slice %arg11[%dma_wait3A_705] : memref<5x!tpu.dma_semaphore, #tpu.memory_space<semaphore_mem>> -> memref<1x!tpu.dma_semaphore, #tpu.memory_space<semaphore_mem>>
      %dma_wait3A_717 = tpu.memref_squeeze %dma_wait3A_716 : memref<1x!tpu.dma_semaphore, #tpu.memory_space<semaphore_mem>> -> memref<!tpu.dma_semaphore, #tpu.memory_space<semaphore_mem>>
      tpu.wait_indirect_dma semaphore(%dma_wait3A_717 : memref<!tpu.dma_semaphore, #tpu.memory_space<semaphore_mem>>) src(%dma_wait3A_709 : memref<80x64xf32, #tpu.memory_space<vmem>>) dst(%dma_wait3A_715 : memref<10000x64xf32, #tpu.memory_space<vmem_shared>>)
      %add3A_718 = arith.constant 5 : i32
      %add3A_719 = arith.addi %add3A_369, %add3A_718 : i32
      %add3A_720 = arith.constant 4 : i32
      %add3A_721 = arith.addi %add3A_719, %add3A_720 : i32
      %dma_start3A_722 = arith.constant 4 : i32
      %dma_start3A_723 = arith.constant 4 : i32
      %dma_start3A_724 = arith.constant 0 : i32
      %dma_start3A_725 = arith.constant 0 : i32
      %dma_start3A_726 = tpu.memref_slice %arg8[%dma_start3A_722, %dma_start3A_724, %dma_start3A_725] : memref<5x80x64xf32, #tpu.memory_space<vmem>> -> memref<1x80x64xf32, #tpu.memory_space<vmem>>
      %dma_start3A_727 = tpu.memref_squeeze %dma_start3A_726 : memref<1x80x64xf32, #tpu.memory_space<vmem>> -> memref<80x64xf32, #tpu.memory_space<vmem>>
      %dma_start3A_728 = arith.constant 0 : i32
      %dma_start3A_729 = tpu.memref_slice %arg6[%add3A_721, %dma_start3A_728] : memref<250x80xi32, #tpu.memory_space<vmem>> -> memref<1x80xi32, #tpu.memory_space<vmem>>
      %dma_start3A_730 = tpu.memref_squeeze %dma_start3A_729 : memref<1x80xi32, #tpu.memory_space<vmem>> -> memref<80xi32, #tpu.memory_space<vmem>>
      %dma_start3A_731 = arith.constant 0 : i32
      %dma_start3A_732 = arith.constant 0 : i32
      %dma_start3A_733 = tpu.memref_slice %arg2[%arg0, %dma_start3A_731, %dma_start3A_732] : memref<2x10000x64xf32, #tpu.memory_space<hbm>> -> memref<1x10000x64xf32, #tpu.memory_space<hbm>>
      %dma_start3A_734 = tpu.memref_squeeze %dma_start3A_733 : memref<1x10000x64xf32, #tpu.memory_space<hbm>> -> memref<10000x64xf32, #tpu.memory_space<hbm>>
      %dma_start3A_735 = arith.constant 0 : i32
      %dma_start3A_736 = arith.constant 0 : i32
      %dma_start3A_737 = tpu.memref_slice %dma_start3A_734[%dma_start3A_735, %dma_start3A_736] : memref<10000x64xf32, #tpu.memory_space<hbm>> -> memref<10000x64xf32, #tpu.memory_space<hbm>>
      %dma_start3A_738 = tpu.memref_slice %arg10[%dma_start3A_723] : memref<5x!tpu.dma_semaphore, #tpu.memory_space<semaphore_mem>> -> memref<1x!tpu.dma_semaphore, #tpu.memory_space<semaphore_mem>>
      %dma_start3A_739 = tpu.memref_squeeze %dma_start3A_738 : memref<1x!tpu.dma_semaphore, #tpu.memory_space<semaphore_mem>> -> memref<!tpu.dma_semaphore, #tpu.memory_space<semaphore_mem>>
      tpu.enqueue_indirect_dma source(%dma_start3A_737 : memref<10000x64xf32, #tpu.memory_space<hbm>>) target(%dma_start3A_727 : memref<80x64xf32, #tpu.memory_space<vmem>>) offsets(%dma_start3A_730 : memref<80xi32, #tpu.memory_space<vmem>>) semaphore(%dma_start3A_739 : memref<!tpu.dma_semaphore, #tpu.memory_space<semaphore_mem>>)
    }
    %scan3A_119 = arith.constant 49 : i32
    %dma_wait3A_120 = arith.constant 245 : i32
    %dma_wait3A_121 = arith.constant 0 : i32
    %dma_wait3A_122 = arith.constant 0 : i32
    %dma_wait3A_123 = arith.constant 0 : i32
    %dma_wait3A_124 = arith.constant 0 : i32
    %dma_wait3A_125 = tpu.memref_slice %arg8[%dma_wait3A_121, %dma_wait3A_123, %dma_wait3A_124] : memref<5x80x64xf32, #tpu.memory_space<vmem>> -> memref<1x80x64xf32, #tpu.memory_space<vmem>>
    %dma_wait3A_126 = tpu.memref_squeeze %dma_wait3A_125 : memref<1x80x64xf32, #tpu.memory_space<vmem>> -> memref<80x64xf32, #tpu.memory_space<vmem>>
    %dma_wait3A_127 = arith.constant 0 : i32
    %dma_wait3A_128 = tpu.memref_slice %arg6[%dma_wait3A_120, %dma_wait3A_127] : memref<250x80xi32, #tpu.memory_space<vmem>> -> memref<1x80xi32, #tpu.memory_space<vmem>>
    %dma_wait3A_129 = tpu.memref_squeeze %dma_wait3A_128 : memref<1x80xi32, #tpu.memory_space<vmem>> -> memref<80xi32, #tpu.memory_space<vmem>>
    %dma_wait3A_130 = arith.constant 0 : i32
    %dma_wait3A_131 = arith.constant 0 : i32
    %dma_wait3A_132 = tpu.memref_slice %arg2[%arg0, %dma_wait3A_130, %dma_wait3A_131] : memref<2x10000x64xf32, #tpu.memory_space<hbm>> -> memref<1x10000x64xf32, #tpu.memory_space<hbm>>
    %dma_wait3A_133 = tpu.memref_squeeze %dma_wait3A_132 : memref<1x10000x64xf32, #tpu.memory_space<hbm>> -> memref<10000x64xf32, #tpu.memory_space<hbm>>
    %dma_wait3A_134 = arith.constant 0 : i32
    %dma_wait3A_135 = arith.constant 0 : i32
    %dma_wait3A_136 = tpu.memref_slice %dma_wait3A_133[%dma_wait3A_134, %dma_wait3A_135] : memref<10000x64xf32, #tpu.memory_space<hbm>> -> memref<10000x64xf32, #tpu.memory_space<hbm>>
    %dma_wait3A_137 = tpu.memref_slice %arg10[%dma_wait3A_122] : memref<5x!tpu.dma_semaphore, #tpu.memory_space<semaphore_mem>> -> memref<1x!tpu.dma_semaphore, #tpu.memory_space<semaphore_mem>>
    %dma_wait3A_138 = tpu.memref_squeeze %dma_wait3A_137 : memref<1x!tpu.dma_semaphore, #tpu.memory_space<semaphore_mem>> -> memref<!tpu.dma_semaphore, #tpu.memory_space<semaphore_mem>>
    tpu.wait_indirect_dma semaphore(%dma_wait3A_138 : memref<!tpu.dma_semaphore, #tpu.memory_space<semaphore_mem>>) src(%dma_wait3A_136 : memref<10000x64xf32, #tpu.memory_space<hbm>>) dst(%dma_wait3A_126 : memref<80x64xf32, #tpu.memory_space<vmem>>)
    %dma_start3A_139 = arith.constant 0 : i32
    %dma_start3A_140 = arith.constant 245 : i32
    %dma_start3A_141 = arith.constant 0 : i32
    %dma_start3A_142 = arith.constant 0 : i32
    %dma_start3A_143 = arith.constant 0 : i32
    %dma_start3A_144 = tpu.memref_slice %arg8[%dma_start3A_139, %dma_start3A_142, %dma_start3A_143] : memref<5x80x64xf32, #tpu.memory_space<vmem>> -> memref<1x80x64xf32, #tpu.memory_space<vmem>>
    %dma_start3A_145 = tpu.memref_squeeze %dma_start3A_144 : memref<1x80x64xf32, #tpu.memory_space<vmem>> -> memref<80x64xf32, #tpu.memory_space<vmem>>
    %dma_start3A_146 = arith.constant 0 : i32
    %dma_start3A_147 = tpu.memref_slice %arg7[%dma_start3A_140, %dma_start3A_146] : memref<250x80xi32, #tpu.memory_space<vmem>> -> memref<1x80xi32, #tpu.memory_space<vmem>>
    %dma_start3A_148 = tpu.memref_squeeze %dma_start3A_147 : memref<1x80xi32, #tpu.memory_space<vmem>> -> memref<80xi32, #tpu.memory_space<vmem>>
    %dma_start3A_149 = arith.constant 0 : i32
    %dma_start3A_150 = arith.constant 0 : i32
    %dma_start3A_151 = tpu.memref_slice %arg9[%dma_start3A_149, %dma_start3A_150] : memref<10000x64xf32, #tpu.memory_space<vmem_shared>> -> memref<10000x64xf32, #tpu.memory_space<vmem_shared>>
    %dma_start3A_152 = tpu.memref_slice %arg11[%dma_start3A_141] : memref<5x!tpu.dma_semaphore, #tpu.memory_space<semaphore_mem>> -> memref<1x!tpu.dma_semaphore, #tpu.memory_space<semaphore_mem>>
    %dma_start3A_153 = tpu.memref_squeeze %dma_start3A_152 : memref<1x!tpu.dma_semaphore, #tpu.memory_space<semaphore_mem>> -> memref<!tpu.dma_semaphore, #tpu.memory_space<semaphore_mem>>
    tpu.enqueue_indirect_dma source(%dma_start3A_145 : memref<80x64xf32, #tpu.memory_space<vmem>>) target(%dma_start3A_151 : memref<10000x64xf32, #tpu.memory_space<vmem_shared>>) offsets(%dma_start3A_148 : memref<80xi32, #tpu.memory_space<vmem>>) semaphore(%dma_start3A_153 : memref<!tpu.dma_semaphore, #tpu.memory_space<semaphore_mem>>) {add = true}
    %dma_wait3A_154 = arith.constant 246 : i32
    %dma_wait3A_155 = arith.constant 1 : i32
    %dma_wait3A_156 = arith.constant 1 : i32
    %dma_wait3A_157 = arith.constant 0 : i32
    %dma_wait3A_158 = arith.constant 0 : i32
    %dma_wait3A_159 = tpu.memref_slice %arg8[%dma_wait3A_155, %dma_wait3A_157, %dma_wait3A_158] : memref<5x80x64xf32, #tpu.memory_space<vmem>> -> memref<1x80x64xf32, #tpu.memory_space<vmem>>
    %dma_wait3A_160 = tpu.memref_squeeze %dma_wait3A_159 : memref<1x80x64xf32, #tpu.memory_space<vmem>> -> memref<80x64xf32, #tpu.memory_space<vmem>>
    %dma_wait3A_161 = arith.constant 0 : i32
    %dma_wait3A_162 = tpu.memref_slice %arg6[%dma_wait3A_154, %dma_wait3A_161] : memref<250x80xi32, #tpu.memory_space<vmem>> -> memref<1x80xi32, #tpu.memory_space<vmem>>
    %dma_wait3A_163 = tpu.memref_squeeze %dma_wait3A_162 : memref<1x80xi32, #tpu.memory_space<vmem>> -> memref<80xi32, #tpu.memory_space<vmem>>
    %dma_wait3A_164 = arith.constant 0 : i32
    %dma_wait3A_165 = arith.constant 0 : i32
    %dma_wait3A_166 = tpu.memref_slice %arg2[%arg0, %dma_wait3A_164, %dma_wait3A_165] : memref<2x10000x64xf32, #tpu.memory_space<hbm>> -> memref<1x10000x64xf32, #tpu.memory_space<hbm>>
    %dma_wait3A_167 = tpu.memref_squeeze %dma_wait3A_166 : memref<1x10000x64xf32, #tpu.memory_space<hbm>> -> memref<10000x64xf32, #tpu.memory_space<hbm>>
    %dma_wait3A_168 = arith.constant 0 : i32
    %dma_wait3A_169 = arith.constant 0 : i32
    %dma_wait3A_170 = tpu.memref_slice %dma_wait3A_167[%dma_wait3A_168, %dma_wait3A_169] : memref<10000x64xf32, #tpu.memory_space<hbm>> -> memref<10000x64xf32, #tpu.memory_space<hbm>>
    %dma_wait3A_171 = tpu.memref_slice %arg10[%dma_wait3A_156] : memref<5x!tpu.dma_semaphore, #tpu.memory_space<semaphore_mem>> -> memref<1x!tpu.dma_semaphore, #tpu.memory_space<semaphore_mem>>
    %dma_wait3A_172 = tpu.memref_squeeze %dma_wait3A_171 : memref<1x!tpu.dma_semaphore, #tpu.memory_space<semaphore_mem>> -> memref<!tpu.dma_semaphore, #tpu.memory_space<semaphore_mem>>
    tpu.wait_indirect_dma semaphore(%dma_wait3A_172 : memref<!tpu.dma_semaphore, #tpu.memory_space<semaphore_mem>>) src(%dma_wait3A_170 : memref<10000x64xf32, #tpu.memory_space<hbm>>) dst(%dma_wait3A_160 : memref<80x64xf32, #tpu.memory_space<vmem>>)
    %dma_start3A_173 = arith.constant 1 : i32
    %dma_start3A_174 = arith.constant 246 : i32
    %dma_start3A_175 = arith.constant 1 : i32
    %dma_start3A_176 = arith.constant 0 : i32
    %dma_start3A_177 = arith.constant 0 : i32
    %dma_start3A_178 = tpu.memref_slice %arg8[%dma_start3A_173, %dma_start3A_176, %dma_start3A_177] : memref<5x80x64xf32, #tpu.memory_space<vmem>> -> memref<1x80x64xf32, #tpu.memory_space<vmem>>
    %dma_start3A_179 = tpu.memref_squeeze %dma_start3A_178 : memref<1x80x64xf32, #tpu.memory_space<vmem>> -> memref<80x64xf32, #tpu.memory_space<vmem>>
    %dma_start3A_180 = arith.constant 0 : i32
    %dma_start3A_181 = tpu.memref_slice %arg7[%dma_start3A_174, %dma_start3A_180] : memref<250x80xi32, #tpu.memory_space<vmem>> -> memref<1x80xi32, #tpu.memory_space<vmem>>
    %dma_start3A_182 = tpu.memref_squeeze %dma_start3A_181 : memref<1x80xi32, #tpu.memory_space<vmem>> -> memref<80xi32, #tpu.memory_space<vmem>>
    %dma_start3A_183 = arith.constant 0 : i32
    %dma_start3A_184 = arith.constant 0 : i32
    %dma_start3A_185 = tpu.memref_slice %arg9[%dma_start3A_183, %dma_start3A_184] : memref<10000x64xf32, #tpu.memory_space<vmem_shared>> -> memref<10000x64xf32, #tpu.memory_space<vmem_shared>>
    %dma_start3A_186 = tpu.memref_slice %arg11[%dma_start3A_175] : memref<5x!tpu.dma_semaphore, #tpu.memory_space<semaphore_mem>> -> memref<1x!tpu.dma_semaphore, #tpu.memory_space<semaphore_mem>>
    %dma_start3A_187 = tpu.memref_squeeze %dma_start3A_186 : memref<1x!tpu.dma_semaphore, #tpu.memory_space<semaphore_mem>> -> memref<!tpu.dma_semaphore, #tpu.memory_space<semaphore_mem>>
    tpu.enqueue_indirect_dma source(%dma_start3A_179 : memref<80x64xf32, #tpu.memory_space<vmem>>) target(%dma_start3A_185 : memref<10000x64xf32, #tpu.memory_space<vmem_shared>>) offsets(%dma_start3A_182 : memref<80xi32, #tpu.memory_space<vmem>>) semaphore(%dma_start3A_187 : memref<!tpu.dma_semaphore, #tpu.memory_space<semaphore_mem>>) {add = true}
    %dma_wait3A_188 = arith.constant 247 : i32
    %dma_wait3A_189 = arith.constant 2 : i32
    %dma_wait3A_190 = arith.constant 2 : i32
    %dma_wait3A_191 = arith.constant 0 : i32
    %dma_wait3A_192 = arith.constant 0 : i32
    %dma_wait3A_193 = tpu.memref_slice %arg8[%dma_wait3A_189, %dma_wait3A_191, %dma_wait3A_192] : memref<5x80x64xf32, #tpu.memory_space<vmem>> -> memref<1x80x64xf32, #tpu.memory_space<vmem>>
    %dma_wait3A_194 = tpu.memref_squeeze %dma_wait3A_193 : memref<1x80x64xf32, #tpu.memory_space<vmem>> -> memref<80x64xf32, #tpu.memory_space<vmem>>
    %dma_wait3A_195 = arith.constant 0 : i32
    %dma_wait3A_196 = tpu.memref_slice %arg6[%dma_wait3A_188, %dma_wait3A_195] : memref<250x80xi32, #tpu.memory_space<vmem>> -> memref<1x80xi32, #tpu.memory_space<vmem>>
    %dma_wait3A_197 = tpu.memref_squeeze %dma_wait3A_196 : memref<1x80xi32, #tpu.memory_space<vmem>> -> memref<80xi32, #tpu.memory_space<vmem>>
    %dma_wait3A_198 = arith.constant 0 : i32
    %dma_wait3A_199 = arith.constant 0 : i32
    %dma_wait3A_200 = tpu.memref_slice %arg2[%arg0, %dma_wait3A_198, %dma_wait3A_199] : memref<2x10000x64xf32, #tpu.memory_space<hbm>> -> memref<1x10000x64xf32, #tpu.memory_space<hbm>>
    %dma_wait3A_201 = tpu.memref_squeeze %dma_wait3A_200 : memref<1x10000x64xf32, #tpu.memory_space<hbm>> -> memref<10000x64xf32, #tpu.memory_space<hbm>>
    %dma_wait3A_202 = arith.constant 0 : i32
    %dma_wait3A_203 = arith.constant 0 : i32
    %dma_wait3A_204 = tpu.memref_slice %dma_wait3A_201[%dma_wait3A_202, %dma_wait3A_203] : memref<10000x64xf32, #tpu.memory_space<hbm>> -> memref<10000x64xf32, #tpu.memory_space<hbm>>
    %dma_wait3A_205 = tpu.memref_slice %arg10[%dma_wait3A_190] : memref<5x!tpu.dma_semaphore, #tpu.memory_space<semaphore_mem>> -> memref<1x!tpu.dma_semaphore, #tpu.memory_space<semaphore_mem>>
    %dma_wait3A_206 = tpu.memref_squeeze %dma_wait3A_205 : memref<1x!tpu.dma_semaphore, #tpu.memory_space<semaphore_mem>> -> memref<!tpu.dma_semaphore, #tpu.memory_space<semaphore_mem>>
    tpu.wait_indirect_dma semaphore(%dma_wait3A_206 : memref<!tpu.dma_semaphore, #tpu.memory_space<semaphore_mem>>) src(%dma_wait3A_204 : memref<10000x64xf32, #tpu.memory_space<hbm>>) dst(%dma_wait3A_194 : memref<80x64xf32, #tpu.memory_space<vmem>>)
    %dma_start3A_207 = arith.constant 2 : i32
    %dma_start3A_208 = arith.constant 247 : i32
    %dma_start3A_209 = arith.constant 2 : i32
    %dma_start3A_210 = arith.constant 0 : i32
    %dma_start3A_211 = arith.constant 0 : i32
    %dma_start3A_212 = tpu.memref_slice %arg8[%dma_start3A_207, %dma_start3A_210, %dma_start3A_211] : memref<5x80x64xf32, #tpu.memory_space<vmem>> -> memref<1x80x64xf32, #tpu.memory_space<vmem>>
    %dma_start3A_213 = tpu.memref_squeeze %dma_start3A_212 : memref<1x80x64xf32, #tpu.memory_space<vmem>> -> memref<80x64xf32, #tpu.memory_space<vmem>>
    %dma_start3A_214 = arith.constant 0 : i32
    %dma_start3A_215 = tpu.memref_slice %arg7[%dma_start3A_208, %dma_start3A_214] : memref<250x80xi32, #tpu.memory_space<vmem>> -> memref<1x80xi32, #tpu.memory_space<vmem>>
    %dma_start3A_216 = tpu.memref_squeeze %dma_start3A_215 : memref<1x80xi32, #tpu.memory_space<vmem>> -> memref<80xi32, #tpu.memory_space<vmem>>
    %dma_start3A_217 = arith.constant 0 : i32
    %dma_start3A_218 = arith.constant 0 : i32
    %dma_start3A_219 = tpu.memref_slice %arg9[%dma_start3A_217, %dma_start3A_218] : memref<10000x64xf32, #tpu.memory_space<vmem_shared>> -> memref<10000x64xf32, #tpu.memory_space<vmem_shared>>
    %dma_start3A_220 = tpu.memref_slice %arg11[%dma_start3A_209] : memref<5x!tpu.dma_semaphore, #tpu.memory_space<semaphore_mem>> -> memref<1x!tpu.dma_semaphore, #tpu.memory_space<semaphore_mem>>
    %dma_start3A_221 = tpu.memref_squeeze %dma_start3A_220 : memref<1x!tpu.dma_semaphore, #tpu.memory_space<semaphore_mem>> -> memref<!tpu.dma_semaphore, #tpu.memory_space<semaphore_mem>>
    tpu.enqueue_indirect_dma source(%dma_start3A_213 : memref<80x64xf32, #tpu.memory_space<vmem>>) target(%dma_start3A_219 : memref<10000x64xf32, #tpu.memory_space<vmem_shared>>) offsets(%dma_start3A_216 : memref<80xi32, #tpu.memory_space<vmem>>) semaphore(%dma_start3A_221 : memref<!tpu.dma_semaphore, #tpu.memory_space<semaphore_mem>>) {add = true}
    %dma_wait3A_222 = arith.constant 248 : i32
    %dma_wait3A_223 = arith.constant 3 : i32
    %dma_wait3A_224 = arith.constant 3 : i32
    %dma_wait3A_225 = arith.constant 0 : i32
    %dma_wait3A_226 = arith.constant 0 : i32
    %dma_wait3A_227 = tpu.memref_slice %arg8[%dma_wait3A_223, %dma_wait3A_225, %dma_wait3A_226] : memref<5x80x64xf32, #tpu.memory_space<vmem>> -> memref<1x80x64xf32, #tpu.memory_space<vmem>>
    %dma_wait3A_228 = tpu.memref_squeeze %dma_wait3A_227 : memref<1x80x64xf32, #tpu.memory_space<vmem>> -> memref<80x64xf32, #tpu.memory_space<vmem>>
    %dma_wait3A_229 = arith.constant 0 : i32
    %dma_wait3A_230 = tpu.memref_slice %arg6[%dma_wait3A_222, %dma_wait3A_229] : memref<250x80xi32, #tpu.memory_space<vmem>> -> memref<1x80xi32, #tpu.memory_space<vmem>>
    %dma_wait3A_231 = tpu.memref_squeeze %dma_wait3A_230 : memref<1x80xi32, #tpu.memory_space<vmem>> -> memref<80xi32, #tpu.memory_space<vmem>>
    %dma_wait3A_232 = arith.constant 0 : i32
    %dma_wait3A_233 = arith.constant 0 : i32
    %dma_wait3A_234 = tpu.memref_slice %arg2[%arg0, %dma_wait3A_232, %dma_wait3A_233] : memref<2x10000x64xf32, #tpu.memory_space<hbm>> -> memref<1x10000x64xf32, #tpu.memory_space<hbm>>
    %dma_wait3A_235 = tpu.memref_squeeze %dma_wait3A_234 : memref<1x10000x64xf32, #tpu.memory_space<hbm>> -> memref<10000x64xf32, #tpu.memory_space<hbm>>
    %dma_wait3A_236 = arith.constant 0 : i32
    %dma_wait3A_237 = arith.constant 0 : i32
    %dma_wait3A_238 = tpu.memref_slice %dma_wait3A_235[%dma_wait3A_236, %dma_wait3A_237] : memref<10000x64xf32, #tpu.memory_space<hbm>> -> memref<10000x64xf32, #tpu.memory_space<hbm>>
    %dma_wait3A_239 = tpu.memref_slice %arg10[%dma_wait3A_224] : memref<5x!tpu.dma_semaphore, #tpu.memory_space<semaphore_mem>> -> memref<1x!tpu.dma_semaphore, #tpu.memory_space<semaphore_mem>>
    %dma_wait3A_240 = tpu.memref_squeeze %dma_wait3A_239 : memref<1x!tpu.dma_semaphore, #tpu.memory_space<semaphore_mem>> -> memref<!tpu.dma_semaphore, #tpu.memory_space<semaphore_mem>>
    tpu.wait_indirect_dma semaphore(%dma_wait3A_240 : memref<!tpu.dma_semaphore, #tpu.memory_space<semaphore_mem>>) src(%dma_wait3A_238 : memref<10000x64xf32, #tpu.memory_space<hbm>>) dst(%dma_wait3A_228 : memref<80x64xf32, #tpu.memory_space<vmem>>)
    %dma_start3A_241 = arith.constant 3 : i32
    %dma_start3A_242 = arith.constant 248 : i32
    %dma_start3A_243 = arith.constant 3 : i32
    %dma_start3A_244 = arith.constant 0 : i32
    %dma_start3A_245 = arith.constant 0 : i32
    %dma_start3A_246 = tpu.memref_slice %arg8[%dma_start3A_241, %dma_start3A_244, %dma_start3A_245] : memref<5x80x64xf32, #tpu.memory_space<vmem>> -> memref<1x80x64xf32, #tpu.memory_space<vmem>>
    %dma_start3A_247 = tpu.memref_squeeze %dma_start3A_246 : memref<1x80x64xf32, #tpu.memory_space<vmem>> -> memref<80x64xf32, #tpu.memory_space<vmem>>
    %dma_start3A_248 = arith.constant 0 : i32
    %dma_start3A_249 = tpu.memref_slice %arg7[%dma_start3A_242, %dma_start3A_248] : memref<250x80xi32, #tpu.memory_space<vmem>> -> memref<1x80xi32, #tpu.memory_space<vmem>>
    %dma_start3A_250 = tpu.memref_squeeze %dma_start3A_249 : memref<1x80xi32, #tpu.memory_space<vmem>> -> memref<80xi32, #tpu.memory_space<vmem>>
    %dma_start3A_251 = arith.constant 0 : i32
    %dma_start3A_252 = arith.constant 0 : i32
    %dma_start3A_253 = tpu.memref_slice %arg9[%dma_start3A_251, %dma_start3A_252] : memref<10000x64xf32, #tpu.memory_space<vmem_shared>> -> memref<10000x64xf32, #tpu.memory_space<vmem_shared>>
    %dma_start3A_254 = tpu.memref_slice %arg11[%dma_start3A_243] : memref<5x!tpu.dma_semaphore, #tpu.memory_space<semaphore_mem>> -> memref<1x!tpu.dma_semaphore, #tpu.memory_space<semaphore_mem>>
    %dma_start3A_255 = tpu.memref_squeeze %dma_start3A_254 : memref<1x!tpu.dma_semaphore, #tpu.memory_space<semaphore_mem>> -> memref<!tpu.dma_semaphore, #tpu.memory_space<semaphore_mem>>
    tpu.enqueue_indirect_dma source(%dma_start3A_247 : memref<80x64xf32, #tpu.memory_space<vmem>>) target(%dma_start3A_253 : memref<10000x64xf32, #tpu.memory_space<vmem_shared>>) offsets(%dma_start3A_250 : memref<80xi32, #tpu.memory_space<vmem>>) semaphore(%dma_start3A_255 : memref<!tpu.dma_semaphore, #tpu.memory_space<semaphore_mem>>) {add = true}
    %dma_wait3A_256 = arith.constant 249 : i32
    %dma_wait3A_257 = arith.constant 4 : i32
    %dma_wait3A_258 = arith.constant 4 : i32
    %dma_wait3A_259 = arith.constant 0 : i32
    %dma_wait3A_260 = arith.constant 0 : i32
    %dma_wait3A_261 = tpu.memref_slice %arg8[%dma_wait3A_257, %dma_wait3A_259, %dma_wait3A_260] : memref<5x80x64xf32, #tpu.memory_space<vmem>> -> memref<1x80x64xf32, #tpu.memory_space<vmem>>
    %dma_wait3A_262 = tpu.memref_squeeze %dma_wait3A_261 : memref<1x80x64xf32, #tpu.memory_space<vmem>> -> memref<80x64xf32, #tpu.memory_space<vmem>>
    %dma_wait3A_263 = arith.constant 0 : i32
    %dma_wait3A_264 = tpu.memref_slice %arg6[%dma_wait3A_256, %dma_wait3A_263] : memref<250x80xi32, #tpu.memory_space<vmem>> -> memref<1x80xi32, #tpu.memory_space<vmem>>
    %dma_wait3A_265 = tpu.memref_squeeze %dma_wait3A_264 : memref<1x80xi32, #tpu.memory_space<vmem>> -> memref<80xi32, #tpu.memory_space<vmem>>
    %dma_wait3A_266 = arith.constant 0 : i32
    %dma_wait3A_267 = arith.constant 0 : i32
    %dma_wait3A_268 = tpu.memref_slice %arg2[%arg0, %dma_wait3A_266, %dma_wait3A_267] : memref<2x10000x64xf32, #tpu.memory_space<hbm>> -> memref<1x10000x64xf32, #tpu.memory_space<hbm>>
    %dma_wait3A_269 = tpu.memref_squeeze %dma_wait3A_268 : memref<1x10000x64xf32, #tpu.memory_space<hbm>> -> memref<10000x64xf32, #tpu.memory_space<hbm>>
    %dma_wait3A_270 = arith.constant 0 : i32
    %dma_wait3A_271 = arith.constant 0 : i32
    %dma_wait3A_272 = tpu.memref_slice %dma_wait3A_269[%dma_wait3A_270, %dma_wait3A_271] : memref<10000x64xf32, #tpu.memory_space<hbm>> -> memref<10000x64xf32, #tpu.memory_space<hbm>>
    %dma_wait3A_273 = tpu.memref_slice %arg10[%dma_wait3A_258] : memref<5x!tpu.dma_semaphore, #tpu.memory_space<semaphore_mem>> -> memref<1x!tpu.dma_semaphore, #tpu.memory_space<semaphore_mem>>
    %dma_wait3A_274 = tpu.memref_squeeze %dma_wait3A_273 : memref<1x!tpu.dma_semaphore, #tpu.memory_space<semaphore_mem>> -> memref<!tpu.dma_semaphore, #tpu.memory_space<semaphore_mem>>
    tpu.wait_indirect_dma semaphore(%dma_wait3A_274 : memref<!tpu.dma_semaphore, #tpu.memory_space<semaphore_mem>>) src(%dma_wait3A_272 : memref<10000x64xf32, #tpu.memory_space<hbm>>) dst(%dma_wait3A_262 : memref<80x64xf32, #tpu.memory_space<vmem>>)
    %dma_start3A_275 = arith.constant 4 : i32
    %dma_start3A_276 = arith.constant 249 : i32
    %dma_start3A_277 = arith.constant 4 : i32
    %dma_start3A_278 = arith.constant 0 : i32
    %dma_start3A_279 = arith.constant 0 : i32
    %dma_start3A_280 = tpu.memref_slice %arg8[%dma_start3A_275, %dma_start3A_278, %dma_start3A_279] : memref<5x80x64xf32, #tpu.memory_space<vmem>> -> memref<1x80x64xf32, #tpu.memory_space<vmem>>
    %dma_start3A_281 = tpu.memref_squeeze %dma_start3A_280 : memref<1x80x64xf32, #tpu.memory_space<vmem>> -> memref<80x64xf32, #tpu.memory_space<vmem>>
    %dma_start3A_282 = arith.constant 0 : i32
    %dma_start3A_283 = tpu.memref_slice %arg7[%dma_start3A_276, %dma_start3A_282] : memref<250x80xi32, #tpu.memory_space<vmem>> -> memref<1x80xi32, #tpu.memory_space<vmem>>
    %dma_start3A_284 = tpu.memref_squeeze %dma_start3A_283 : memref<1x80xi32, #tpu.memory_space<vmem>> -> memref<80xi32, #tpu.memory_space<vmem>>
    %dma_start3A_285 = arith.constant 0 : i32
    %dma_start3A_286 = arith.constant 0 : i32
    %dma_start3A_287 = tpu.memref_slice %arg9[%dma_start3A_285, %dma_start3A_286] : memref<10000x64xf32, #tpu.memory_space<vmem_shared>> -> memref<10000x64xf32, #tpu.memory_space<vmem_shared>>
    %dma_start3A_288 = tpu.memref_slice %arg11[%dma_start3A_277] : memref<5x!tpu.dma_semaphore, #tpu.memory_space<semaphore_mem>> -> memref<1x!tpu.dma_semaphore, #tpu.memory_space<semaphore_mem>>
    %dma_start3A_289 = tpu.memref_squeeze %dma_start3A_288 : memref<1x!tpu.dma_semaphore, #tpu.memory_space<semaphore_mem>> -> memref<!tpu.dma_semaphore, #tpu.memory_space<semaphore_mem>>
    tpu.enqueue_indirect_dma source(%dma_start3A_281 : memref<80x64xf32, #tpu.memory_space<vmem>>) target(%dma_start3A_287 : memref<10000x64xf32, #tpu.memory_space<vmem_shared>>) offsets(%dma_start3A_284 : memref<80xi32, #tpu.memory_space<vmem>>) semaphore(%dma_start3A_289 : memref<!tpu.dma_semaphore, #tpu.memory_space<semaphore_mem>>) {add = true}
    %dma_wait3A_290 = arith.constant 0 : i32
    %dma_wait3A_291 = arith.constant 245 : i32
    %dma_wait3A_292 = arith.constant 0 : i32
    %dma_wait3A_293 = arith.constant 0 : i32
    %dma_wait3A_294 = arith.constant 0 : i32
    %dma_wait3A_295 = tpu.memref_slice %arg8[%dma_wait3A_290, %dma_wait3A_293, %dma_wait3A_294] : memref<5x80x64xf32, #tpu.memory_space<vmem>> -> memref<1x80x64xf32, #tpu.memory_space<vmem>>
    %dma_wait3A_296 = tpu.memref_squeeze %dma_wait3A_295 : memref<1x80x64xf32, #tpu.memory_space<vmem>> -> memref<80x64xf32, #tpu.memory_space<vmem>>
    %dma_wait3A_297 = arith.constant 0 : i32
    %dma_wait3A_298 = tpu.memref_slice %arg7[%dma_wait3A_291, %dma_wait3A_297] : memref<250x80xi32, #tpu.memory_space<vmem>> -> memref<1x80xi32, #tpu.memory_space<vmem>>
    %dma_wait3A_299 = tpu.memref_squeeze %dma_wait3A_298 : memref<1x80xi32, #tpu.memory_space<vmem>> -> memref<80xi32, #tpu.memory_space<vmem>>
    %dma_wait3A_300 = arith.constant 0 : i32
    %dma_wait3A_301 = arith.constant 0 : i32
    %dma_wait3A_302 = tpu.memref_slice %arg9[%dma_wait3A_300, %dma_wait3A_301] : memref<10000x64xf32, #tpu.memory_space<vmem_shared>> -> memref<10000x64xf32, #tpu.memory_space<vmem_shared>>
    %dma_wait3A_303 = tpu.memref_slice %arg11[%dma_wait3A_292] : memref<5x!tpu.dma_semaphore, #tpu.memory_space<semaphore_mem>> -> memref<1x!tpu.dma_semaphore, #tpu.memory_space<semaphore_mem>>
    %dma_wait3A_304 = tpu.memref_squeeze %dma_wait3A_303 : memref<1x!tpu.dma_semaphore, #tpu.memory_space<semaphore_mem>> -> memref<!tpu.dma_semaphore, #tpu.memory_space<semaphore_mem>>
    tpu.wait_indirect_dma semaphore(%dma_wait3A_304 : memref<!tpu.dma_semaphore, #tpu.memory_space<semaphore_mem>>) src(%dma_wait3A_296 : memref<80x64xf32, #tpu.memory_space<vmem>>) dst(%dma_wait3A_302 : memref<10000x64xf32, #tpu.memory_space<vmem_shared>>)
    %dma_wait3A_305 = arith.constant 1 : i32
    %dma_wait3A_306 = arith.constant 246 : i32
    %dma_wait3A_307 = arith.constant 1 : i32
    %dma_wait3A_308 = arith.constant 0 : i32
    %dma_wait3A_309 = arith.constant 0 : i32
    %dma_wait3A_310 = tpu.memref_slice %arg8[%dma_wait3A_305, %dma_wait3A_308, %dma_wait3A_309] : memref<5x80x64xf32, #tpu.memory_space<vmem>> -> memref<1x80x64xf32, #tpu.memory_space<vmem>>
    %dma_wait3A_311 = tpu.memref_squeeze %dma_wait3A_310 : memref<1x80x64xf32, #tpu.memory_space<vmem>> -> memref<80x64xf32, #tpu.memory_space<vmem>>
    %dma_wait3A_312 = arith.constant 0 : i32
    %dma_wait3A_313 = tpu.memref_slice %arg7[%dma_wait3A_306, %dma_wait3A_312] : memref<250x80xi32, #tpu.memory_space<vmem>> -> memref<1x80xi32, #tpu.memory_space<vmem>>
    %dma_wait3A_314 = tpu.memref_squeeze %dma_wait3A_313 : memref<1x80xi32, #tpu.memory_space<vmem>> -> memref<80xi32, #tpu.memory_space<vmem>>
    %dma_wait3A_315 = arith.constant 0 : i32
    %dma_wait3A_316 = arith.constant 0 : i32
    %dma_wait3A_317 = tpu.memref_slice %arg9[%dma_wait3A_315, %dma_wait3A_316] : memref<10000x64xf32, #tpu.memory_space<vmem_shared>> -> memref<10000x64xf32, #tpu.memory_space<vmem_shared>>
    %dma_wait3A_318 = tpu.memref_slice %arg11[%dma_wait3A_307] : memref<5x!tpu.dma_semaphore, #tpu.memory_space<semaphore_mem>> -> memref<1x!tpu.dma_semaphore, #tpu.memory_space<semaphore_mem>>
    %dma_wait3A_319 = tpu.memref_squeeze %dma_wait3A_318 : memref<1x!tpu.dma_semaphore, #tpu.memory_space<semaphore_mem>> -> memref<!tpu.dma_semaphore, #tpu.memory_space<semaphore_mem>>
    tpu.wait_indirect_dma semaphore(%dma_wait3A_319 : memref<!tpu.dma_semaphore, #tpu.memory_space<semaphore_mem>>) src(%dma_wait3A_311 : memref<80x64xf32, #tpu.memory_space<vmem>>) dst(%dma_wait3A_317 : memref<10000x64xf32, #tpu.memory_space<vmem_shared>>)
    %dma_wait3A_320 = arith.constant 2 : i32
    %dma_wait3A_321 = arith.constant 247 : i32
    %dma_wait3A_322 = arith.constant 2 : i32
    %dma_wait3A_323 = arith.constant 0 : i32
    %dma_wait3A_324 = arith.constant 0 : i32
    %dma_wait3A_325 = tpu.memref_slice %arg8[%dma_wait3A_320, %dma_wait3A_323, %dma_wait3A_324] : memref<5x80x64xf32, #tpu.memory_space<vmem>> -> memref<1x80x64xf32, #tpu.memory_space<vmem>>
    %dma_wait3A_326 = tpu.memref_squeeze %dma_wait3A_325 : memref<1x80x64xf32, #tpu.memory_space<vmem>> -> memref<80x64xf32, #tpu.memory_space<vmem>>
    %dma_wait3A_327 = arith.constant 0 : i32
    %dma_wait3A_328 = tpu.memref_slice %arg7[%dma_wait3A_321, %dma_wait3A_327] : memref<250x80xi32, #tpu.memory_space<vmem>> -> memref<1x80xi32, #tpu.memory_space<vmem>>
    %dma_wait3A_329 = tpu.memref_squeeze %dma_wait3A_328 : memref<1x80xi32, #tpu.memory_space<vmem>> -> memref<80xi32, #tpu.memory_space<vmem>>
    %dma_wait3A_330 = arith.constant 0 : i32
    %dma_wait3A_331 = arith.constant 0 : i32
    %dma_wait3A_332 = tpu.memref_slice %arg9[%dma_wait3A_330, %dma_wait3A_331] : memref<10000x64xf32, #tpu.memory_space<vmem_shared>> -> memref<10000x64xf32, #tpu.memory_space<vmem_shared>>
    %dma_wait3A_333 = tpu.memref_slice %arg11[%dma_wait3A_322] : memref<5x!tpu.dma_semaphore, #tpu.memory_space<semaphore_mem>> -> memref<1x!tpu.dma_semaphore, #tpu.memory_space<semaphore_mem>>
    %dma_wait3A_334 = tpu.memref_squeeze %dma_wait3A_333 : memref<1x!tpu.dma_semaphore, #tpu.memory_space<semaphore_mem>> -> memref<!tpu.dma_semaphore, #tpu.memory_space<semaphore_mem>>
    tpu.wait_indirect_dma semaphore(%dma_wait3A_334 : memref<!tpu.dma_semaphore, #tpu.memory_space<semaphore_mem>>) src(%dma_wait3A_326 : memref<80x64xf32, #tpu.memory_space<vmem>>) dst(%dma_wait3A_332 : memref<10000x64xf32, #tpu.memory_space<vmem_shared>>)
    %dma_wait3A_335 = arith.constant 3 : i32
    %dma_wait3A_336 = arith.constant 248 : i32
    %dma_wait3A_337 = arith.constant 3 : i32
    %dma_wait3A_338 = arith.constant 0 : i32
    %dma_wait3A_339 = arith.constant 0 : i32
    %dma_wait3A_340 = tpu.memref_slice %arg8[%dma_wait3A_335, %dma_wait3A_338, %dma_wait3A_339] : memref<5x80x64xf32, #tpu.memory_space<vmem>> -> memref<1x80x64xf32, #tpu.memory_space<vmem>>
    %dma_wait3A_341 = tpu.memref_squeeze %dma_wait3A_340 : memref<1x80x64xf32, #tpu.memory_space<vmem>> -> memref<80x64xf32, #tpu.memory_space<vmem>>
    %dma_wait3A_342 = arith.constant 0 : i32
    %dma_wait3A_343 = tpu.memref_slice %arg7[%dma_wait3A_336, %dma_wait3A_342] : memref<250x80xi32, #tpu.memory_space<vmem>> -> memref<1x80xi32, #tpu.memory_space<vmem>>
    %dma_wait3A_344 = tpu.memref_squeeze %dma_wait3A_343 : memref<1x80xi32, #tpu.memory_space<vmem>> -> memref<80xi32, #tpu.memory_space<vmem>>
    %dma_wait3A_345 = arith.constant 0 : i32
    %dma_wait3A_346 = arith.constant 0 : i32
    %dma_wait3A_347 = tpu.memref_slice %arg9[%dma_wait3A_345, %dma_wait3A_346] : memref<10000x64xf32, #tpu.memory_space<vmem_shared>> -> memref<10000x64xf32, #tpu.memory_space<vmem_shared>>
    %dma_wait3A_348 = tpu.memref_slice %arg11[%dma_wait3A_337] : memref<5x!tpu.dma_semaphore, #tpu.memory_space<semaphore_mem>> -> memref<1x!tpu.dma_semaphore, #tpu.memory_space<semaphore_mem>>
    %dma_wait3A_349 = tpu.memref_squeeze %dma_wait3A_348 : memref<1x!tpu.dma_semaphore, #tpu.memory_space<semaphore_mem>> -> memref<!tpu.dma_semaphore, #tpu.memory_space<semaphore_mem>>
    tpu.wait_indirect_dma semaphore(%dma_wait3A_349 : memref<!tpu.dma_semaphore, #tpu.memory_space<semaphore_mem>>) src(%dma_wait3A_341 : memref<80x64xf32, #tpu.memory_space<vmem>>) dst(%dma_wait3A_347 : memref<10000x64xf32, #tpu.memory_space<vmem_shared>>)
    %dma_wait3A_350 = arith.constant 4 : i32
    %dma_wait3A_351 = arith.constant 249 : i32
    %dma_wait3A_352 = arith.constant 4 : i32
    %dma_wait3A_353 = arith.constant 0 : i32
    %dma_wait3A_354 = arith.constant 0 : i32
    %dma_wait3A_355 = tpu.memref_slice %arg8[%dma_wait3A_350, %dma_wait3A_353, %dma_wait3A_354] : memref<5x80x64xf32, #tpu.memory_space<vmem>> -> memref<1x80x64xf32, #tpu.memory_space<vmem>>
    %dma_wait3A_356 = tpu.memref_squeeze %dma_wait3A_355 : memref<1x80x64xf32, #tpu.memory_space<vmem>> -> memref<80x64xf32, #tpu.memory_space<vmem>>
    %dma_wait3A_357 = arith.constant 0 : i32
    %dma_wait3A_358 = tpu.memref_slice %arg7[%dma_wait3A_351, %dma_wait3A_357] : memref<250x80xi32, #tpu.memory_space<vmem>> -> memref<1x80xi32, #tpu.memory_space<vmem>>
    %dma_wait3A_359 = tpu.memref_squeeze %dma_wait3A_358 : memref<1x80xi32, #tpu.memory_space<vmem>> -> memref<80xi32, #tpu.memory_space<vmem>>
    %dma_wait3A_360 = arith.constant 0 : i32
    %dma_wait3A_361 = arith.constant 0 : i32
    %dma_wait3A_362 = tpu.memref_slice %arg9[%dma_wait3A_360, %dma_wait3A_361] : memref<10000x64xf32, #tpu.memory_space<vmem_shared>> -> memref<10000x64xf32, #tpu.memory_space<vmem_shared>>
    %dma_wait3A_363 = tpu.memref_slice %arg11[%dma_wait3A_352] : memref<5x!tpu.dma_semaphore, #tpu.memory_space<semaphore_mem>> -> memref<1x!tpu.dma_semaphore, #tpu.memory_space<semaphore_mem>>
    %dma_wait3A_364 = tpu.memref_squeeze %dma_wait3A_363 : memref<1x!tpu.dma_semaphore, #tpu.memory_space<semaphore_mem>> -> memref<!tpu.dma_semaphore, #tpu.memory_space<semaphore_mem>>
    tpu.wait_indirect_dma semaphore(%dma_wait3A_364 : memref<!tpu.dma_semaphore, #tpu.memory_space<semaphore_mem>>) src(%dma_wait3A_356 : memref<80x64xf32, #tpu.memory_space<vmem>>) dst(%dma_wait3A_362 : memref<10000x64xf32, #tpu.memory_space<vmem_shared>>)
    %barrier3A_365 = arith.constant 0 : index
    tpu.barrier barrier_id(%barrier3A_365)
    "tpu.region"() ({
      %run_scoped3A = tpu.sem_alloc : memref<!tpu.dma_semaphore, #tpu.memory_space<semaphore_mem>>
      %dma_start3A_366 = arith.constant 0 : i32
      %dma_start3A_367 = arith.constant 0 : i32
      %dma_start3A_368 = tpu.memref_slice %arg5[%arg0, %arg1, %dma_start3A_366, %dma_start3A_367] : memref<2x16x625x64xf32, #tpu.memory_space<hbm>> -> memref<1x1x625x64xf32, #tpu.memory_space<hbm>>
      %dma_start3A_369 = tpu.memref_squeeze %dma_start3A_368 : memref<1x1x625x64xf32, #tpu.memory_space<hbm>> -> memref<625x64xf32, #tpu.memory_space<hbm>>
      %dma_start3A_370 = arith.constant 0 : i32
      %dma_start3A_371 = tpu.memref_slice %arg9[%mul3A_0, %dma_start3A_370] : memref<10000x64xf32, #tpu.memory_space<vmem_shared>> -> memref<625x64xf32, #tpu.memory_space<vmem_shared>>
      tpu.enqueue_dma source(%dma_start3A_371 : memref<625x64xf32, #tpu.memory_space<vmem_shared>>) target(%dma_start3A_369 : memref<625x64xf32, #tpu.memory_space<hbm>>) target_semaphore(%run_scoped3A : memref<!tpu.dma_semaphore, #tpu.memory_space<semaphore_mem>>)
      %dma_wait3A_372 = arith.constant 0 : i32
      %dma_wait3A_373 = arith.constant 0 : i32
      %dma_wait3A_374 = tpu.memref_slice %arg5[%arg0, %arg1, %dma_wait3A_372, %dma_wait3A_373] : memref<2x16x625x64xf32, #tpu.memory_space<hbm>> -> memref<1x1x625x64xf32, #tpu.memory_space<hbm>>
      %dma_wait3A_375 = tpu.memref_squeeze %dma_wait3A_374 : memref<1x1x625x64xf32, #tpu.memory_space<hbm>> -> memref<625x64xf32, #tpu.memory_space<hbm>>
      %dma_wait3A_376 = arith.constant 0 : i32
      %dma_wait3A_377 = tpu.memref_slice %arg9[%mul3A_0, %dma_wait3A_376] : memref<10000x64xf32, #tpu.memory_space<vmem_shared>> -> memref<625x64xf32, #tpu.memory_space<vmem_shared>>
      tpu.wait_dma2 semaphore(%run_scoped3A : memref<!tpu.dma_semaphore, #tpu.memory_space<semaphore_mem>>) src(%dma_wait3A_377 : memref<625x64xf32, #tpu.memory_space<vmem_shared>>) dst(%dma_wait3A_375 : memref<625x64xf32, #tpu.memory_space<hbm>>)
      tpu.yield
    }) : () -> ()
    return
  }
}

module attributes {stable_mosaic.version = 14 : i64} {
  func.func @body(%arg0: i32, %arg1: memref<1000x128xf32, #tpu.memory_space<vmem>>, %arg2: memref<128x128xf32, #tpu.memory_space<vmem>>, %arg3: memref<1000x32xf32, #tpu.memory_space<vmem>>, %arg4: memref<2x1000x64xf32, #tpu.memory_space<vmem>>) attributes {dimension_semantics = [#tpu.dimension_semantics<parallel>], iteration_bounds = array<i64: 10>, scalar_prefetch = 0 : i64, scratch_operands = 0 : i64, tpu.core_type = #tpu.core_type<tc>, window_params = [{transform_indices = @transform_0, window_bounds = array<i64: 1000, 128>}, {pipeline_mode = #tpu.pipeline_mode<synchronous>, transform_indices = @transform_1, window_bounds = array<i64: 128, 128>}, {transform_indices = @transform_2, window_bounds = array<i64: 1000, 32>}, {transform_indices = @transform_3, window_bounds = array<i64: 2, 1000, 64>}]} {
    %get3A = arith.constant 0 : index
    %get3A_0 = arith.constant 0 : index
    %get3A_1 = vector.load %arg3[%get3A, %get3A_0] : memref<1000x32xf32, #tpu.memory_space<vmem>>, vector<1000x32xf32>
    %reduce_sum3A = arith.constant dense<0.000000e+00> : vector<1000xf32>
    %reduce_sum3A_2 = vector.multi_reduction <add>, %get3A_1, %reduce_sum3A [1] : vector<1000x32xf32> to vector<1000xf32>
    %broadcast_in_dim3A = vector.shape_cast %reduce_sum3A_2 : vector<1000xf32> to vector<1000x1xf32>
    %add3A = arith.constant 1.000000e+00 : f32
    %add3A_3 = vector.broadcast %add3A : f32 to vector<1000x1xf32>
    %add3A_4 = arith.addf %broadcast_in_dim3A, %add3A_3 : vector<1000x1xf32>
    %max3A = arith.constant 1.000000e+00 : f32
    %max3A_5 = vector.broadcast %max3A : f32 to vector<1000x1xf32>
    %max3A_6 = arith.maximumf %add3A_4, %max3A_5 : vector<1000x1xf32>
    %rsqrt3A = math.rsqrt %max3A_6 : vector<1000x1xf32>
    %get3A_7 = arith.constant 0 : index
    %get3A_8 = arith.constant 0 : index
    %get3A_9 = vector.load %arg1[%get3A_7, %get3A_8] : memref<1000x128xf32, #tpu.memory_space<vmem>>, vector<1000x128xf32>
    %get3A_10 = arith.constant 0 : index
    %get3A_11 = arith.constant 0 : index
    %get3A_12 = vector.load %arg2[%get3A_10, %get3A_11] : memref<128x128xf32, #tpu.memory_space<vmem>>, vector<128x128xf32>
    %dot_general3A = arith.constant dense<0.000000e+00> : vector<1000x128xf32>
    %dot_general3A_13 = tpu.matmul %get3A_9, %get3A_12, %dot_general3A {dimension_numbers = #tpu.dot_dimension_numbers<[1], [0], [0], [1], [0, 0, 1, 1], [], []>, transpose_lhs_hint = false} : vector<1000x128xf32>, vector<128x128xf32>, vector<1000x128xf32> -> vector<1000x128xf32>
    %mul3A = vector.broadcast %rsqrt3A : vector<1000x1xf32> to vector<1000x128xf32>
    %mul3A_14 = arith.mulf %dot_general3A_13, %mul3A : vector<1000x128xf32>
    %slice3A = vector.extract_strided_slice %mul3A_14 {offsets = [0, 0], sizes = [1000, 64], strides = [1, 1]} : vector<1000x128xf32> to vector<1000x64xf32>
    %swap3A = arith.constant 0 : index
    %swap3A_15 = arith.constant 0 : index
    %swap3A_16 = arith.constant 0 : index
    %swap3A_17 = vector.load %arg4[%swap3A, %swap3A_15, %swap3A_16] : memref<2x1000x64xf32, #tpu.memory_space<vmem>>, vector<1x1000x64xf32>
    %swap3A_18 = vector.shape_cast %swap3A_17 : vector<1x1000x64xf32> to vector<1000x64xf32>
    %swap3A_19 = vector.shape_cast %slice3A : vector<1000x64xf32> to vector<1x1000x64xf32>
    tpu.vector_store %arg4[%swap3A, %swap3A_15, %swap3A_16], %swap3A_19 {strides = array<i32>} : memref<2x1000x64xf32, #tpu.memory_space<vmem>>, vector<1x1000x64xf32>,
    %slice3A_20 = vector.extract_strided_slice %mul3A_14 {offsets = [0, 64], sizes = [1000, 64], strides = [1, 1]} : vector<1000x128xf32> to vector<1000x64xf32>
    %swap3A_21 = arith.constant 1 : index
    %swap3A_22 = arith.constant 0 : index
    %swap3A_23 = arith.constant 0 : index
    %swap3A_24 = vector.load %arg4[%swap3A_21, %swap3A_22, %swap3A_23] : memref<2x1000x64xf32, #tpu.memory_space<vmem>>, vector<1x1000x64xf32>
    %swap3A_25 = vector.shape_cast %swap3A_24 : vector<1x1000x64xf32> to vector<1000x64xf32>
    %swap3A_26 = vector.shape_cast %slice3A_20 : vector<1000x64xf32> to vector<1x1000x64xf32>
    tpu.vector_store %arg4[%swap3A_21, %swap3A_22, %swap3A_23], %swap3A_26 {strides = array<i32>} : memref<2x1000x64xf32, #tpu.memory_space<vmem>>, vector<1x1000x64xf32>,
    return
  }
  func.func @transform_0(%arg0: i32) -> (i32, i32) {
    %c0_i32 = arith.constant 0 : i32
    %c0_i32_0 = arith.constant 0 : i32
    return %arg0, %c0_i32 : i32, i32
  }
  func.func @transform_1(%arg0: i32) -> (i32, i32) {
    %c0_i32 = arith.constant 0 : i32
    %c0_i32_0 = arith.constant 0 : i32
    %c0_i32_1 = arith.constant 0 : i32
    return %c0_i32, %c0_i32_0 : i32, i32
  }
  func.func @transform_2(%arg0: i32) -> (i32, i32) {
    %c0_i32 = arith.constant 0 : i32
    %c0_i32_0 = arith.constant 0 : i32
    return %arg0, %c0_i32 : i32, i32
  }
  func.func @transform_3(%arg0: i32) -> (i32, i32, i32) {
    %c0_i32 = arith.constant 0 : i32
    %c0_i32_0 = arith.constant 0 : i32
    %c0_i32_1 = arith.constant 0 : i32
    return %c0_i32, %arg0, %c0_i32_0 : i32, i32, i32
  }
}

module attributes {stable_mosaic.version = 14 : i64} {
  func.func @body(%arg0: i32, %arg1: memref<2x1000x64xf32, #tpu.memory_space<vmem>>, %arg2: memref<1000x32xf32, #tpu.memory_space<vmem>>, %arg3: memref<1x128xf32, #tpu.memory_space<vmem>>, %arg4: memref<128x128xf32, #tpu.memory_space<vmem>>, %arg5: memref<6x128x128xf32, #tpu.memory_space<vmem>>, %arg6: memref<128x40xf32, #tpu.memory_space<vmem>>, %arg7: memref<1x40xf32, #tpu.memory_space<vmem>>, %arg8: memref<1000x40xf32, #tpu.memory_space<vmem>>) attributes {dimension_semantics = [#tpu.dimension_semantics<parallel>], iteration_bounds = array<i64: 10>, scalar_prefetch = 0 : i64, scratch_operands = 0 : i64, tpu.core_type = #tpu.core_type<tc>, window_params = [{transform_indices = @transform_0, window_bounds = array<i64: 2, 1000, 64>}, {transform_indices = @transform_1, window_bounds = array<i64: 1000, 32>}, {pipeline_mode = #tpu.pipeline_mode<synchronous>, transform_indices = @transform_2, window_bounds = array<i64: 1, 128>}, {pipeline_mode = #tpu.pipeline_mode<synchronous>, transform_indices = @transform_3, window_bounds = array<i64: 128, 128>}, {pipeline_mode = #tpu.pipeline_mode<synchronous>, transform_indices = @transform_4, window_bounds = array<i64: 6, 128, 128>}, {pipeline_mode = #tpu.pipeline_mode<synchronous>, transform_indices = @transform_5, window_bounds = array<i64: 128, 40>}, {pipeline_mode = #tpu.pipeline_mode<synchronous>, transform_indices = @transform_6, window_bounds = array<i64: 1, 40>}, {transform_indices = @transform_7, window_bounds = array<i64: 1000, 40>}]} {
    %get3A = arith.constant 0 : index
    %get3A_0 = arith.constant 0 : index
    %get3A_1 = vector.load %arg2[%get3A, %get3A_0] : memref<1000x32xf32, #tpu.memory_space<vmem>>, vector<1000x32xf32>
    %reduce_sum3A = arith.constant dense<0.000000e+00> : vector<1000xf32>
    %reduce_sum3A_2 = vector.multi_reduction <add>, %get3A_1, %reduce_sum3A [1] : vector<1000x32xf32> to vector<1000xf32>
    %broadcast_in_dim3A = vector.shape_cast %reduce_sum3A_2 : vector<1000xf32> to vector<1000x1xf32>
    %add3A = arith.constant 1.000000e+00 : f32
    %add3A_3 = vector.broadcast %add3A : f32 to vector<1000x1xf32>
    %add3A_4 = arith.addf %broadcast_in_dim3A, %add3A_3 : vector<1000x1xf32>
    %max3A = arith.constant 1.000000e+00 : f32
    %max3A_5 = vector.broadcast %max3A : f32 to vector<1000x1xf32>
    %max3A_6 = arith.maximumf %add3A_4, %max3A_5 : vector<1000x1xf32>
    %rsqrt3A = math.rsqrt %max3A_6 : vector<1000x1xf32>
    %get3A_7 = arith.constant 0 : index
    %get3A_8 = arith.constant 0 : index
    %get3A_9 = arith.constant 0 : index
    %get3A_10 = vector.load %arg1[%get3A_7, %get3A_8, %get3A_9] : memref<2x1000x64xf32, #tpu.memory_space<vmem>>, vector<1x1000x64xf32>
    %get3A_11 = vector.shape_cast %get3A_10 : vector<1x1000x64xf32> to vector<1000x64xf32>
    %get3A_12 = arith.constant 1 : index
    %get3A_13 = arith.constant 0 : index
    %get3A_14 = arith.constant 0 : index
    %get3A_15 = vector.load %arg1[%get3A_12, %get3A_13, %get3A_14] : memref<2x1000x64xf32, #tpu.memory_space<vmem>>, vector<1x1000x64xf32>
    %get3A_16 = vector.shape_cast %get3A_15 : vector<1x1000x64xf32> to vector<1000x64xf32>
    %concatenate3A = tpu.concatenate %get3A_11, %get3A_16 in 1 : vector<1000x64xf32>, vector<1000x64xf32> -> vector<1000x128xf32>
    %mul3A = vector.broadcast %rsqrt3A : vector<1000x1xf32> to vector<1000x128xf32>
    %mul3A_17 = arith.mulf %concatenate3A, %mul3A : vector<1000x128xf32>
    %get3A_18 = arith.constant 0 : index
    %get3A_19 = arith.constant 0 : index
    %get3A_20 = vector.load %arg3[%get3A_18, %get3A_19] : memref<1x128xf32, #tpu.memory_space<vmem>>, vector<1x128xf32>
    %add3A_21 = vector.broadcast %get3A_20 : vector<1x128xf32> to vector<1000x128xf32>
    %add3A_22 = arith.addf %mul3A_17, %add3A_21 : vector<1000x128xf32>
    %max3A_23 = arith.constant 0.000000e+00 : f32
    %max3A_24 = vector.broadcast %max3A_23 : f32 to vector<1000x128xf32>
    %max3A_25 = arith.maximumf %add3A_22, %max3A_24 : vector<1000x128xf32>
    %neg3A = arith.constant 0.000000e+00 : f32
    %neg3A_26 = vector.broadcast %neg3A : f32 to vector<1000x128xf32>
    %neg3A_27 = arith.subf %neg3A_26, %max3A_25 : vector<1000x128xf32>
    %exp3A = math.exp %neg3A_27 : vector<1000x128xf32>
    %add3A_28 = arith.constant 1.000000e+00 : f32
    %add3A_29 = vector.broadcast %add3A_28 : f32 to vector<1000x128xf32>
    %add3A_30 = arith.addf %add3A_29, %exp3A : vector<1000x128xf32>
    %div3A = arith.constant 1.000000e+00 : f32
    %div3A_31 = vector.broadcast %div3A : f32 to vector<1000x128xf32>
    %div3A_32 = arith.divf %div3A_31, %add3A_30 : vector<1000x128xf32>
    %mul3A_33 = arith.mulf %max3A_25, %div3A_32 : vector<1000x128xf32>
    %get3A_34 = arith.constant 0 : index
    %get3A_35 = arith.constant 0 : index
    %get3A_36 = vector.load %arg4[%get3A_34, %get3A_35] : memref<128x128xf32, #tpu.memory_space<vmem>>, vector<128x128xf32>
    %dot_general3A = arith.constant dense<0.000000e+00> : vector<1000x128xf32>
    %dot_general3A_37 = tpu.matmul %mul3A_33, %get3A_36, %dot_general3A {dimension_numbers = #tpu.dot_dimension_numbers<[1], [0], [0], [1], [0, 0, 1, 1], [], []>, transpose_lhs_hint = false} : vector<1000x128xf32>, vector<128x128xf32>, vector<1000x128xf32> -> vector<1000x128xf32>
    %add3A_38 = arith.constant 2.200000e+00 : f32
    %add3A_39 = vector.broadcast %add3A_38 : f32 to vector<1000x128xf32>
    %add3A_40 = arith.addf %max3A_25, %add3A_39 : vector<1000x128xf32>
    %mul3A_41 = arith.constant 2.500000e+00 : f32
    %mul3A_42 = vector.broadcast %mul3A_41 : f32 to vector<1000x128xf32>
    %mul3A_43 = arith.mulf %add3A_40, %mul3A_42 : vector<1000x128xf32>
    %floor3A = math.floor %mul3A_43 : vector<1000x128xf32>
    %sub3A = arith.subf %mul3A_43, %floor3A : vector<1000x128xf32>
    %mul3A_44 = arith.mulf %sub3A, %sub3A : vector<1000x128xf32>
    %mul3A_45 = arith.mulf %mul3A_44, %sub3A : vector<1000x128xf32>
    %mul3A_46 = arith.constant 0.166666672 : f32
    %mul3A_47 = vector.broadcast %mul3A_46 : f32 to vector<1000x128xf32>
    %mul3A_48 = arith.mulf %mul3A_45, %mul3A_47 : vector<1000x128xf32>
    %mul3A_49 = arith.constant -3.000000e+00 : f32
    %mul3A_50 = vector.broadcast %mul3A_49 : f32 to vector<1000x128xf32>
    %mul3A_51 = arith.mulf %mul3A_50, %sub3A : vector<1000x128xf32>
    %add3A_52 = arith.constant 3.000000e+00 : f32
    %add3A_53 = vector.broadcast %add3A_52 : f32 to vector<1000x128xf32>
    %add3A_54 = arith.addf %mul3A_51, %add3A_53 : vector<1000x128xf32>
    %mul3A_55 = arith.mulf %add3A_54, %sub3A : vector<1000x128xf32>
    %add3A_56 = arith.constant 3.000000e+00 : f32
    %add3A_57 = vector.broadcast %add3A_56 : f32 to vector<1000x128xf32>
    %add3A_58 = arith.addf %mul3A_55, %add3A_57 : vector<1000x128xf32>
    %mul3A_59 = arith.mulf %add3A_58, %sub3A : vector<1000x128xf32>
    %add3A_60 = arith.constant 1.000000e+00 : f32
    %add3A_61 = vector.broadcast %add3A_60 : f32 to vector<1000x128xf32>
    %add3A_62 = arith.addf %mul3A_59, %add3A_61 : vector<1000x128xf32>
    %mul3A_63 = arith.constant 0.166666672 : f32
    %mul3A_64 = vector.broadcast %mul3A_63 : f32 to vector<1000x128xf32>
    %mul3A_65 = arith.mulf %add3A_62, %mul3A_64 : vector<1000x128xf32>
    %mul3A_66 = arith.constant 3.000000e+00 : f32
    %mul3A_67 = vector.broadcast %mul3A_66 : f32 to vector<1000x128xf32>
    %mul3A_68 = arith.mulf %mul3A_67, %sub3A : vector<1000x128xf32>
    %sub3A_69 = arith.constant 6.000000e+00 : f32
    %sub3A_70 = vector.broadcast %sub3A_69 : f32 to vector<1000x128xf32>
    %sub3A_71 = arith.subf %mul3A_68, %sub3A_70 : vector<1000x128xf32>
    %mul3A_72 = arith.mulf %sub3A_71, %mul3A_44 : vector<1000x128xf32>
    %mul3A_73 = arith.constant 0.166666672 : f32
    %mul3A_74 = vector.broadcast %mul3A_73 : f32 to vector<1000x128xf32>
    %mul3A_75 = arith.mulf %mul3A_72, %mul3A_74 : vector<1000x128xf32>
    %add3A_76 = arith.constant 0.666666686 : f32
    %add3A_77 = vector.broadcast %add3A_76 : f32 to vector<1000x128xf32>
    %add3A_78 = arith.addf %mul3A_75, %add3A_77 : vector<1000x128xf32>
    %sub3A_79 = arith.constant 1.000000e+00 : f32
    %sub3A_80 = vector.broadcast %sub3A_79 : f32 to vector<1000x128xf32>
    %sub3A_81 = arith.subf %sub3A_80, %sub3A : vector<1000x128xf32>
    %mul3A_82 = arith.mulf %sub3A_81, %sub3A_81 : vector<1000x128xf32>
    %mul3A_83 = arith.mulf %mul3A_82, %sub3A_81 : vector<1000x128xf32>
    %mul3A_84 = arith.constant 0.166666672 : f32
    %mul3A_85 = vector.broadcast %mul3A_84 : f32 to vector<1000x128xf32>
    %mul3A_86 = arith.mulf %mul3A_83, %mul3A_85 : vector<1000x128xf32>
    %broadcast_in_dim3A_87 = arith.constant 0.000000e+00 : f32
    %broadcast_in_dim3A_88 = vector.broadcast %broadcast_in_dim3A_87 : f32 to vector<1000x128xf32>
    %eq3A = arith.constant 2.000000e+00 : f32
    %eq3A_89 = vector.broadcast %eq3A : f32 to vector<1000x128xf32>
    %eq3A_90 = arith.cmpf oeq, %floor3A, %eq3A_89 : vector<1000x128xf32>
    %select_n3A = arith.select %eq3A_90, %mul3A_48, %broadcast_in_dim3A_88 : vector<1000x128xi1>, vector<1000x128xf32>
    %eq3A_91 = arith.constant 3.000000e+00 : f32
    %eq3A_92 = vector.broadcast %eq3A_91 : f32 to vector<1000x128xf32>
    %eq3A_93 = arith.cmpf oeq, %floor3A, %eq3A_92 : vector<1000x128xf32>
    %select_n3A_94 = arith.select %eq3A_93, %mul3A_65, %broadcast_in_dim3A_88 : vector<1000x128xi1>, vector<1000x128xf32>
    %add3A_95 = arith.addf %select_n3A, %select_n3A_94 : vector<1000x128xf32>
    %eq3A_96 = arith.constant 4.000000e+00 : f32
    %eq3A_97 = vector.broadcast %eq3A_96 : f32 to vector<1000x128xf32>
    %eq3A_98 = arith.cmpf oeq, %floor3A, %eq3A_97 : vector<1000x128xf32>
    %select_n3A_99 = arith.select %eq3A_98, %add3A_78, %broadcast_in_dim3A_88 : vector<1000x128xi1>, vector<1000x128xf32>
    %add3A_100 = arith.addf %add3A_95, %select_n3A_99 : vector<1000x128xf32>
    %eq3A_101 = arith.constant 5.000000e+00 : f32
    %eq3A_102 = vector.broadcast %eq3A_101 : f32 to vector<1000x128xf32>
    %eq3A_103 = arith.cmpf oeq, %floor3A, %eq3A_102 : vector<1000x128xf32>
    %select_n3A_104 = arith.select %eq3A_103, %mul3A_86, %broadcast_in_dim3A_88 : vector<1000x128xi1>, vector<1000x128xf32>
    %add3A_105 = arith.addf %add3A_100, %select_n3A_104 : vector<1000x128xf32>
    %get3A_106 = arith.constant 0 : index
    %get3A_107 = arith.constant 0 : index
    %get3A_108 = arith.constant 0 : index
    %get3A_109 = vector.load %arg5[%get3A_106, %get3A_107, %get3A_108] : memref<6x128x128xf32, #tpu.memory_space<vmem>>, vector<1x128x128xf32>
    %get3A_110 = vector.shape_cast %get3A_109 : vector<1x128x128xf32> to vector<128x128xf32>
    %dot_general3A_111 = arith.constant dense<0.000000e+00> : vector<1000x128xf32>
    %dot_general3A_112 = tpu.matmul %add3A_105, %get3A_110, %dot_general3A_111 {dimension_numbers = #tpu.dot_dimension_numbers<[1], [0], [0], [1], [0, 0, 1, 1], [], []>, transpose_lhs_hint = false} : vector<1000x128xf32>, vector<128x128xf32>, vector<1000x128xf32> -> vector<1000x128xf32>
    %eq3A_113 = arith.constant 3.000000e+00 : f32
    %eq3A_114 = vector.broadcast %eq3A_113 : f32 to vector<1000x128xf32>
    %eq3A_115 = arith.cmpf oeq, %floor3A, %eq3A_114 : vector<1000x128xf32>
    %select_n3A_116 = arith.select %eq3A_115, %mul3A_48, %broadcast_in_dim3A_88 : vector<1000x128xi1>, vector<1000x128xf32>
    %eq3A_117 = arith.constant 4.000000e+00 : f32
    %eq3A_118 = vector.broadcast %eq3A_117 : f32 to vector<1000x128xf32>
    %eq3A_119 = arith.cmpf oeq, %floor3A, %eq3A_118 : vector<1000x128xf32>
    %select_n3A_120 = arith.select %eq3A_119, %mul3A_65, %broadcast_in_dim3A_88 : vector<1000x128xi1>, vector<1000x128xf32>
    %add3A_121 = arith.addf %select_n3A_116, %select_n3A_120 : vector<1000x128xf32>
    %eq3A_122 = arith.constant 5.000000e+00 : f32
    %eq3A_123 = vector.broadcast %eq3A_122 : f32 to vector<1000x128xf32>
    %eq3A_124 = arith.cmpf oeq, %floor3A, %eq3A_123 : vector<1000x128xf32>
    %select_n3A_125 = arith.select %eq3A_124, %add3A_78, %broadcast_in_dim3A_88 : vector<1000x128xi1>, vector<1000x128xf32>
    %add3A_126 = arith.addf %add3A_121, %select_n3A_125 : vector<1000x128xf32>
    %eq3A_127 = arith.constant 6.000000e+00 : f32
    %eq3A_128 = vector.broadcast %eq3A_127 : f32 to vector<1000x128xf32>
    %eq3A_129 = arith.cmpf oeq, %floor3A, %eq3A_128 : vector<1000x128xf32>
    %select_n3A_130 = arith.select %eq3A_129, %mul3A_86, %broadcast_in_dim3A_88 : vector<1000x128xi1>, vector<1000x128xf32>
    %add3A_131 = arith.addf %add3A_126, %select_n3A_130 : vector<1000x128xf32>
    %get3A_132 = arith.constant 1 : index
    %get3A_133 = arith.constant 0 : index
    %get3A_134 = arith.constant 0 : index
    %get3A_135 = vector.load %arg5[%get3A_132, %get3A_133, %get3A_134] : memref<6x128x128xf32, #tpu.memory_space<vmem>>, vector<1x128x128xf32>
    %get3A_136 = vector.shape_cast %get3A_135 : vector<1x128x128xf32> to vector<128x128xf32>
    %dot_general3A_137 = arith.constant dense<0.000000e+00> : vector<1000x128xf32>
    %dot_general3A_138 = tpu.matmul %add3A_131, %get3A_136, %dot_general3A_137 {dimension_numbers = #tpu.dot_dimension_numbers<[1], [0], [0], [1], [0, 0, 1, 1], [], []>, transpose_lhs_hint = false} : vector<1000x128xf32>, vector<128x128xf32>, vector<1000x128xf32> -> vector<1000x128xf32>
    %add3A_139 = arith.addf %dot_general3A_112, %dot_general3A_138 : vector<1000x128xf32>
    %eq3A_140 = arith.constant 4.000000e+00 : f32
    %eq3A_141 = vector.broadcast %eq3A_140 : f32 to vector<1000x128xf32>
    %eq3A_142 = arith.cmpf oeq, %floor3A, %eq3A_141 : vector<1000x128xf32>
    %select_n3A_143 = arith.select %eq3A_142, %mul3A_48, %broadcast_in_dim3A_88 : vector<1000x128xi1>, vector<1000x128xf32>
    %eq3A_144 = arith.constant 5.000000e+00 : f32
    %eq3A_145 = vector.broadcast %eq3A_144 : f32 to vector<1000x128xf32>
    %eq3A_146 = arith.cmpf oeq, %floor3A, %eq3A_145 : vector<1000x128xf32>
    %select_n3A_147 = arith.select %eq3A_146, %mul3A_65, %broadcast_in_dim3A_88 : vector<1000x128xi1>, vector<1000x128xf32>
    %add3A_148 = arith.addf %select_n3A_143, %select_n3A_147 : vector<1000x128xf32>
    %eq3A_149 = arith.constant 6.000000e+00 : f32
    %eq3A_150 = vector.broadcast %eq3A_149 : f32 to vector<1000x128xf32>
    %eq3A_151 = arith.cmpf oeq, %floor3A, %eq3A_150 : vector<1000x128xf32>
    %select_n3A_152 = arith.select %eq3A_151, %add3A_78, %broadcast_in_dim3A_88 : vector<1000x128xi1>, vector<1000x128xf32>
    %add3A_153 = arith.addf %add3A_148, %select_n3A_152 : vector<1000x128xf32>
    %eq3A_154 = arith.constant 7.000000e+00 : f32
    %eq3A_155 = vector.broadcast %eq3A_154 : f32 to vector<1000x128xf32>
    %eq3A_156 = arith.cmpf oeq, %floor3A, %eq3A_155 : vector<1000x128xf32>
    %select_n3A_157 = arith.select %eq3A_156, %mul3A_86, %broadcast_in_dim3A_88 : vector<1000x128xi1>, vector<1000x128xf32>
    %add3A_158 = arith.addf %add3A_153, %select_n3A_157 : vector<1000x128xf32>
    %get3A_159 = arith.constant 2 : index
    %get3A_160 = arith.constant 0 : index
    %get3A_161 = arith.constant 0 : index
    %get3A_162 = vector.load %arg5[%get3A_159, %get3A_160, %get3A_161] : memref<6x128x128xf32, #tpu.memory_space<vmem>>, vector<1x128x128xf32>
    %get3A_163 = vector.shape_cast %get3A_162 : vector<1x128x128xf32> to vector<128x128xf32>
    %dot_general3A_164 = arith.constant dense<0.000000e+00> : vector<1000x128xf32>
    %dot_general3A_165 = tpu.matmul %add3A_158, %get3A_163, %dot_general3A_164 {dimension_numbers = #tpu.dot_dimension_numbers<[1], [0], [0], [1], [0, 0, 1, 1], [], []>, transpose_lhs_hint = false} : vector<1000x128xf32>, vector<128x128xf32>, vector<1000x128xf32> -> vector<1000x128xf32>
    %add3A_166 = arith.addf %add3A_139, %dot_general3A_165 : vector<1000x128xf32>
    %eq3A_167 = arith.constant 5.000000e+00 : f32
    %eq3A_168 = vector.broadcast %eq3A_167 : f32 to vector<1000x128xf32>
    %eq3A_169 = arith.cmpf oeq, %floor3A, %eq3A_168 : vector<1000x128xf32>
    %select_n3A_170 = arith.select %eq3A_169, %mul3A_48, %broadcast_in_dim3A_88 : vector<1000x128xi1>, vector<1000x128xf32>
    %eq3A_171 = arith.constant 6.000000e+00 : f32
    %eq3A_172 = vector.broadcast %eq3A_171 : f32 to vector<1000x128xf32>
    %eq3A_173 = arith.cmpf oeq, %floor3A, %eq3A_172 : vector<1000x128xf32>
    %select_n3A_174 = arith.select %eq3A_173, %mul3A_65, %broadcast_in_dim3A_88 : vector<1000x128xi1>, vector<1000x128xf32>
    %add3A_175 = arith.addf %select_n3A_170, %select_n3A_174 : vector<1000x128xf32>
    %eq3A_176 = arith.constant 7.000000e+00 : f32
    %eq3A_177 = vector.broadcast %eq3A_176 : f32 to vector<1000x128xf32>
    %eq3A_178 = arith.cmpf oeq, %floor3A, %eq3A_177 : vector<1000x128xf32>
    %select_n3A_179 = arith.select %eq3A_178, %add3A_78, %broadcast_in_dim3A_88 : vector<1000x128xi1>, vector<1000x128xf32>
    %add3A_180 = arith.addf %add3A_175, %select_n3A_179 : vector<1000x128xf32>
    %eq3A_181 = arith.constant 8.000000e+00 : f32
    %eq3A_182 = vector.broadcast %eq3A_181 : f32 to vector<1000x128xf32>
    %eq3A_183 = arith.cmpf oeq, %floor3A, %eq3A_182 : vector<1000x128xf32>
    %select_n3A_184 = arith.select %eq3A_183, %mul3A_86, %broadcast_in_dim3A_88 : vector<1000x128xi1>, vector<1000x128xf32>
    %add3A_185 = arith.addf %add3A_180, %select_n3A_184 : vector<1000x128xf32>
    %get3A_186 = arith.constant 3 : index
    %get3A_187 = arith.constant 0 : index
    %get3A_188 = arith.constant 0 : index
    %get3A_189 = vector.load %arg5[%get3A_186, %get3A_187, %get3A_188] : memref<6x128x128xf32, #tpu.memory_space<vmem>>, vector<1x128x128xf32>
    %get3A_190 = vector.shape_cast %get3A_189 : vector<1x128x128xf32> to vector<128x128xf32>
    %dot_general3A_191 = arith.constant dense<0.000000e+00> : vector<1000x128xf32>
    %dot_general3A_192 = tpu.matmul %add3A_185, %get3A_190, %dot_general3A_191 {dimension_numbers = #tpu.dot_dimension_numbers<[1], [0], [0], [1], [0, 0, 1, 1], [], []>, transpose_lhs_hint = false} : vector<1000x128xf32>, vector<128x128xf32>, vector<1000x128xf32> -> vector<1000x128xf32>
    %add3A_193 = arith.addf %add3A_166, %dot_general3A_192 : vector<1000x128xf32>
    %eq3A_194 = arith.constant 6.000000e+00 : f32
    %eq3A_195 = vector.broadcast %eq3A_194 : f32 to vector<1000x128xf32>
    %eq3A_196 = arith.cmpf oeq, %floor3A, %eq3A_195 : vector<1000x128xf32>
    %select_n3A_197 = arith.select %eq3A_196, %mul3A_48, %broadcast_in_dim3A_88 : vector<1000x128xi1>, vector<1000x128xf32>
    %eq3A_198 = arith.constant 7.000000e+00 : f32
    %eq3A_199 = vector.broadcast %eq3A_198 : f32 to vector<1000x128xf32>
    %eq3A_200 = arith.cmpf oeq, %floor3A, %eq3A_199 : vector<1000x128xf32>
    %select_n3A_201 = arith.select %eq3A_200, %mul3A_65, %broadcast_in_dim3A_88 : vector<1000x128xi1>, vector<1000x128xf32>
    %add3A_202 = arith.addf %select_n3A_197, %select_n3A_201 : vector<1000x128xf32>
    %eq3A_203 = arith.constant 8.000000e+00 : f32
    %eq3A_204 = vector.broadcast %eq3A_203 : f32 to vector<1000x128xf32>
    %eq3A_205 = arith.cmpf oeq, %floor3A, %eq3A_204 : vector<1000x128xf32>
    %select_n3A_206 = arith.select %eq3A_205, %add3A_78, %broadcast_in_dim3A_88 : vector<1000x128xi1>, vector<1000x128xf32>
    %add3A_207 = arith.addf %add3A_202, %select_n3A_206 : vector<1000x128xf32>
    %eq3A_208 = arith.constant 9.000000e+00 : f32
    %eq3A_209 = vector.broadcast %eq3A_208 : f32 to vector<1000x128xf32>
    %eq3A_210 = arith.cmpf oeq, %floor3A, %eq3A_209 : vector<1000x128xf32>
    %select_n3A_211 = arith.select %eq3A_210, %mul3A_86, %broadcast_in_dim3A_88 : vector<1000x128xi1>, vector<1000x128xf32>
    %add3A_212 = arith.addf %add3A_207, %select_n3A_211 : vector<1000x128xf32>
    %get3A_213 = arith.constant 4 : index
    %get3A_214 = arith.constant 0 : index
    %get3A_215 = arith.constant 0 : index
    %get3A_216 = vector.load %arg5[%get3A_213, %get3A_214, %get3A_215] : memref<6x128x128xf32, #tpu.memory_space<vmem>>, vector<1x128x128xf32>
    %get3A_217 = vector.shape_cast %get3A_216 : vector<1x128x128xf32> to vector<128x128xf32>
    %dot_general3A_218 = arith.constant dense<0.000000e+00> : vector<1000x128xf32>
    %dot_general3A_219 = tpu.matmul %add3A_212, %get3A_217, %dot_general3A_218 {dimension_numbers = #tpu.dot_dimension_numbers<[1], [0], [0], [1], [0, 0, 1, 1], [], []>, transpose_lhs_hint = false} : vector<1000x128xf32>, vector<128x128xf32>, vector<1000x128xf32> -> vector<1000x128xf32>
    %add3A_220 = arith.addf %add3A_193, %dot_general3A_219 : vector<1000x128xf32>
    %eq3A_221 = arith.constant 7.000000e+00 : f32
    %eq3A_222 = vector.broadcast %eq3A_221 : f32 to vector<1000x128xf32>
    %eq3A_223 = arith.cmpf oeq, %floor3A, %eq3A_222 : vector<1000x128xf32>
    %select_n3A_224 = arith.select %eq3A_223, %mul3A_48, %broadcast_in_dim3A_88 : vector<1000x128xi1>, vector<1000x128xf32>
    %eq3A_225 = arith.constant 8.000000e+00 : f32
    %eq3A_226 = vector.broadcast %eq3A_225 : f32 to vector<1000x128xf32>
    %eq3A_227 = arith.cmpf oeq, %floor3A, %eq3A_226 : vector<1000x128xf32>
    %select_n3A_228 = arith.select %eq3A_227, %mul3A_65, %broadcast_in_dim3A_88 : vector<1000x128xi1>, vector<1000x128xf32>
    %add3A_229 = arith.addf %select_n3A_224, %select_n3A_228 : vector<1000x128xf32>
    %eq3A_230 = arith.constant 9.000000e+00 : f32
    %eq3A_231 = vector.broadcast %eq3A_230 : f32 to vector<1000x128xf32>
    %eq3A_232 = arith.cmpf oeq, %floor3A, %eq3A_231 : vector<1000x128xf32>
    %select_n3A_233 = arith.select %eq3A_232, %add3A_78, %broadcast_in_dim3A_88 : vector<1000x128xi1>, vector<1000x128xf32>
    %add3A_234 = arith.addf %add3A_229, %select_n3A_233 : vector<1000x128xf32>
    %eq3A_235 = arith.constant 1.000000e+01 : f32
    %eq3A_236 = vector.broadcast %eq3A_235 : f32 to vector<1000x128xf32>
    %eq3A_237 = arith.cmpf oeq, %floor3A, %eq3A_236 : vector<1000x128xf32>
    %select_n3A_238 = arith.select %eq3A_237, %mul3A_86, %broadcast_in_dim3A_88 : vector<1000x128xi1>, vector<1000x128xf32>
    %add3A_239 = arith.addf %add3A_234, %select_n3A_238 : vector<1000x128xf32>
    %get3A_240 = arith.constant 5 : index
    %get3A_241 = arith.constant 0 : index
    %get3A_242 = arith.constant 0 : index
    %get3A_243 = vector.load %arg5[%get3A_240, %get3A_241, %get3A_242] : memref<6x128x128xf32, #tpu.memory_space<vmem>>, vector<1x128x128xf32>
    %get3A_244 = vector.shape_cast %get3A_243 : vector<1x128x128xf32> to vector<128x128xf32>
    %dot_general3A_245 = arith.constant dense<0.000000e+00> : vector<1000x128xf32>
    %dot_general3A_246 = tpu.matmul %add3A_239, %get3A_244, %dot_general3A_245 {dimension_numbers = #tpu.dot_dimension_numbers<[1], [0], [0], [1], [0, 0, 1, 1], [], []>, transpose_lhs_hint = false} : vector<1000x128xf32>, vector<128x128xf32>, vector<1000x128xf32> -> vector<1000x128xf32>
    %add3A_247 = arith.addf %add3A_220, %dot_general3A_246 : vector<1000x128xf32>
    %add3A_248 = arith.addf %dot_general3A_37, %add3A_247 : vector<1000x128xf32>
    %get3A_249 = arith.constant 0 : index
    %get3A_250 = arith.constant 0 : index
    %get3A_251 = vector.load %arg6[%get3A_249, %get3A_250] : memref<128x40xf32, #tpu.memory_space<vmem>>, vector<128x40xf32>
    %dot_general3A_252 = arith.constant dense<0.000000e+00> : vector<1000x40xf32>
    %dot_general3A_253 = tpu.matmul %add3A_248, %get3A_251, %dot_general3A_252 {dimension_numbers = #tpu.dot_dimension_numbers<[1], [0], [0], [1], [0, 0, 1, 1], [], []>, transpose_lhs_hint = false} : vector<1000x128xf32>, vector<128x40xf32>, vector<1000x40xf32> -> vector<1000x40xf32>
    %get3A_254 = arith.constant 0 : index
    %get3A_255 = arith.constant 0 : index
    %get3A_256 = vector.load %arg7[%get3A_254, %get3A_255] : memref<1x40xf32, #tpu.memory_space<vmem>>, vector<1x40xf32>
    %add3A_257 = vector.broadcast %get3A_256 : vector<1x40xf32> to vector<1000x40xf32>
    %add3A_258 = arith.addf %dot_general3A_253, %add3A_257 : vector<1000x40xf32>
    %reduce_max3A = arith.constant dense<0xFF800000> : vector<1000xf32>
    %reduce_max3A_259 = vector.multi_reduction <maximumf>, %add3A_258, %reduce_max3A [1] : vector<1000x40xf32> to vector<1000xf32>
    %broadcast_in_dim3A_260 = vector.shape_cast %reduce_max3A_259 : vector<1000xf32> to vector<1000x1xf32>
    %sub3A_261 = vector.broadcast %broadcast_in_dim3A_260 : vector<1000x1xf32> to vector<1000x40xf32>
    %sub3A_262 = arith.subf %add3A_258, %sub3A_261 : vector<1000x40xf32>
    %exp3A_263 = math.exp %sub3A_262 : vector<1000x40xf32>
    %reduce_sum3A_264 = arith.constant dense<0.000000e+00> : vector<1000xf32>
    %reduce_sum3A_265 = vector.multi_reduction <add>, %exp3A_263, %reduce_sum3A_264 [1] : vector<1000x40xf32> to vector<1000xf32>
    %broadcast_in_dim3A_266 = vector.shape_cast %reduce_sum3A_265 : vector<1000xf32> to vector<1000x1xf32>
    %log3A = math.log %broadcast_in_dim3A_266 : vector<1000x1xf32>
    %add3A_267 = arith.addf %log3A, %broadcast_in_dim3A_260 : vector<1000x1xf32>
    %sub3A_268 = vector.broadcast %add3A_267 : vector<1000x1xf32> to vector<1000x40xf32>
    %sub3A_269 = arith.subf %add3A_258, %sub3A_268 : vector<1000x40xf32>
    %swap3A = arith.constant 0 : index
    %swap3A_270 = arith.constant 0 : index
    %swap3A_271 = vector.load %arg8[%swap3A, %swap3A_270] : memref<1000x40xf32, #tpu.memory_space<vmem>>, vector<1000x40xf32>
    tpu.vector_store %arg8[%swap3A, %swap3A_270], %sub3A_269 {strides = array<i32>} : memref<1000x40xf32, #tpu.memory_space<vmem>>, vector<1000x40xf32>,
    return
  }
  func.func @transform_0(%arg0: i32) -> (i32, i32, i32) {
    %c0_i32 = arith.constant 0 : i32
    %c0_i32_0 = arith.constant 0 : i32
    %c0_i32_1 = arith.constant 0 : i32
    return %c0_i32, %arg0, %c0_i32_0 : i32, i32, i32
  }
  func.func @transform_1(%arg0: i32) -> (i32, i32) {
    %c0_i32 = arith.constant 0 : i32
    %c0_i32_0 = arith.constant 0 : i32
    return %arg0, %c0_i32 : i32, i32
  }
  func.func @transform_2(%arg0: i32) -> (i32, i32) {
    %c0_i32 = arith.constant 0 : i32
    %c0_i32_0 = arith.constant 0 : i32
    %c0_i32_1 = arith.constant 0 : i32
    return %c0_i32, %c0_i32_0 : i32, i32
  }
  func.func @transform_3(%arg0: i32) -> (i32, i32) {
    %c0_i32 = arith.constant 0 : i32
    %c0_i32_0 = arith.constant 0 : i32
    %c0_i32_1 = arith.constant 0 : i32
    return %c0_i32, %c0_i32_0 : i32, i32
  }
  func.func @transform_4(%arg0: i32) -> (i32, i32, i32) {
    %c0_i32 = arith.constant 0 : i32
    %c0_i32_0 = arith.constant 0 : i32
    %c0_i32_1 = arith.constant 0 : i32
    %c0_i32_2 = arith.constant 0 : i32
    return %c0_i32, %c0_i32_0, %c0_i32_1 : i32, i32, i32
  }
  func.func @transform_5(%arg0: i32) -> (i32, i32) {
    %c0_i32 = arith.constant 0 : i32
    %c0_i32_0 = arith.constant 0 : i32
    %c0_i32_1 = arith.constant 0 : i32
    return %c0_i32, %c0_i32_0 : i32, i32
  }
  func.func @transform_6(%arg0: i32) -> (i32, i32) {
    %c0_i32 = arith.constant 0 : i32
    %c0_i32_0 = arith.constant 0 : i32
    %c0_i32_1 = arith.constant 0 : i32
    return %c0_i32, %c0_i32_0 : i32, i32
  }
  func.func @transform_7(%arg0: i32) -> (i32, i32) {
    %c0_i32 = arith.constant 0 : i32
    %c0_i32_0 = arith.constant 0 : i32
    return %arg0, %c0_i32 : i32, i32
  }
}

</mosaic_0001>

<sc_bundles>
// kernel: kernel.6.cloned.1.call-start
scs
__scs_entry_jumppad:
0x0: {  	(pc) =	sbr.rel $0x88, $3  }
0x1: {  	(tag) =	ssettag $0x0;
	lr =	simm.s32 $0x1  }
0x2: {  	[smem:$0x3F99] =	sst lr;
	_ =	strace $0xD0000000  }
0x3: {  	_ = 	snop  }
0x4: {  	_ = 	snop  }
0x5: {  	_ = 	snop  }
0x6: {  	_ = 	snop  }
0x7: {  	_ = 	snop  }
__scs_overlays_trampoline_lowered:
0x8: {  	[smem:$0x3FA8] =	sst s0  }
0x9: {  	[smem:$0x3FA9] =	sst s1  }
0xa: {  	[smem:$0x3FAA] =	sst s2  }
0xb: {  	[smem:$0x3FAB] =	sst s3  }
0xc: {  	[smem:$0x3FAC] =	sst s4  }
0xd: {  	[smem:$0x3FAD] =	sst s5  }
0xe: {  	[smem:$0x3FAE] =	sst s6  }
0xf: {  	[smem:$0x3FAF] =	sst s7  }
0x10: {  	[smem:$0x3FB0] =	sst s8  }
0x11: {  	[smem:$0x3FB1] =	sst s9;
	s0 =	simm.s32 @!p0 $0x0  }
0x12: {  	s1 =	sld [smem:$0x3F97];
	s0 =	simm.s32 @p0 $0x1  }
0x13: {  	[smem:$0x3FB2] =	sst s0;
	s0 =	simm.s32 @!p1 $0x0  }
0x14: {  	s2 =	sld [smem:$0x3F96];
	s0 =	simm.s32 @p1 $0x1  }
0x15: {  	[smem:$0x3FB3] =	sst s0;
	s0 =	simm.s32 @!p2 $0x0  }
0x16: {  	s3 =	sld [smem:$0x3FDB];
	s0 =	simm.s32 @p2 $0x1  }
0x17: {  	s4 =	simm.s32 $0x1BF5;
	[smem:$0x3FB5] =	sst s0  }
0x18: {  	s0 =	sld [smem:$0x3F98];
	_ =	swait.ge [sflag:s4], $0x0  }
0x19: {  	s7 =	sld [smem:$0x3F99]  }
0x1a: {  	s8 =	sadd.s32 $0xFFFFE003, lr  }
0x1b: {  	s9 =	sadd.s32 $0xFFFFFEF7, lr;
	s5 =	simm.s32 $0xFFFFFFFF;
	p2 =	slt.u32 s8, $0xFFFFF086  }
0x1c: {  	p1 =	slt.u32 s9, $0xF7A;
	s5 =	simm.s32 @!p2 $0x0  }
0x1d: {  	s5 =	simm.s32 @p1 $0x1;
	p0 =	seq.s32 s7, s2  }
0x1e: {  	s7 =	smul.u32 @!p0 $0xF7A, s2;
	p2 =	seq.s32 @!p0 s5, $0x0  }
0x1f: {  	s9 =	smul.u32 $0xF7A, s1;
	s8 =	simm.s32 @!p0 $0x1BF5;
	p2 =	por !p2, p0  }
0x20: {  	[sflag:s8] =	ssyncset.s32 @!p0 $0xFFFFF086;
	s6 =	sadd.s32 @!p0 s3, s7;
	s7 =	simm.s32 @!p0 $0x108  }
0x21: {  	s3 =	sadd.s32 s3, s9;
	s6 =	sadd.s32 @!p0 $0x88, s6;
	s7 =	simm.s32 @p2 $0x1082  }
0x22: {  	[simem:s7], [sflag:s8] =	dma.local @!p0 [hbm:s6], $0xF7A  }
0x23: {  	s9 =	sor.u32 $0xD0000000, s2;
	s6 =	simm.s32 $0x108;
	_ =	swait.ge @!p0 [sflag:s8], $0x0  }
0x24: {  	s3 =	sadd.s32 $0x88, s3;
	s6 =	simm.s32 @!p1 $0x1082;
	[sflag:s4] =	ssyncset.s32 $0xFFFFF086  }
0x25: {  	[simem:s6], [sflag:s4] =	dma.local [hbm:s3], $0xF7A  }
0x26: {  	[smem:$0x3F99] =	sst s1;
	(tag) =	ssettag s2;
	_ =	strace s9  }
0x27: {  	s1 =	sld [smem:$0x3FA9]  }
0x28: {  	s2 =	sld [smem:$0x3FAA]  }
0x29: {  	s4 =	sld [smem:$0x3FAC]  }
0x2a: {  	p0 =	seq.s32 s5, $0x0;
	s5 =	sld [smem:$0x3FAD]  }
0x2b: {  	s6 =	sld [smem:$0x3FAE]  }
0x2c: {  	s7 =	sld [smem:$0x3FAF]  }
0x2d: {  	s3 =	simm.s32 $0x108;
	s8 =	sld [smem:$0x3FB0]  }
0x2e: {  	s3 =	simm.s32 @!p0 $0x1082;
	s9 =	sld [smem:$0x3FB1]  }
0x2f: {  	lr =	sadd.s32 s0, s3;
	s0 =	sld [smem:$0x3FA8]  }
0x30: {  	s3 =	sld [smem:$0x3FAB]  }
0x31: {  	[smem:$0x3FB4] =	sst s10  }
0x32: {  	s10 =	sld [smem:$0x3FB2];
	_ =	sdelay $0x3  }
0x33: {  	p0 =	seq.s32 s10, $0x1;
	s10 =	sld [smem:$0x3FB4];
	_ =	sdelay $0x3  }
0x34: {  	[smem:$0x3FB4] =	sst s10  }
0x35: {  	s10 =	sld [smem:$0x3FB3];
	_ =	sdelay $0x3  }
0x36: {  	p1 =	seq.s32 s10, $0x1;
	s10 =	sld [smem:$0x3FB4];
	_ =	sdelay $0x3  }
0x37: {  	[smem:$0x3FB4] =	sst s10  }
0x38: {  	s10 =	sld [smem:$0x3FB5]  }
0x39: {  	_ = 	snop;
	(pc) =	sbr.ind lr, $3  }
0x3a: {  	_ = 	snop  }
0x3b: {  	_ = 	snop  }
0x3c: {  	p2 =	seq.s32 s10, $0x1;
	s10 =	sld [smem:$0x3FB4]  }
0x3d: {  	_ =	shalt  }
0x3e: {  	_ =	shalt  }
0x3f: {  	_ =	shalt  }
0x40: {  	_ =	shalt  }
0x41: {  	_ =	shalt  }
0x42: {  	_ =	shalt  }
0x43: {  	_ =	shalt  }
0x44: {  	_ =	shalt  }
0x45: {  	_ =	shalt  }
0x46: {  	_ =	shalt  }
0x47: {  	_ =	shalt  }
0x48: {  	_ =	shalt  }
0x49: {  	_ =	shalt  }
0x4a: {  	_ =	shalt  }
0x4b: {  	_ =	shalt  }
0x4c: {  	_ =	shalt  }
0x4d: {  	_ =	shalt  }
0x4e: {  	_ =	shalt  }
0x4f: {  	_ =	shalt  }
0x50: {  	_ =	shalt  }
0x51: {  	_ =	shalt  }
0x52: {  	_ =	shalt  }
0x53: {  	_ =	shalt  }
0x54: {  	_ =	shalt  }
0x55: {  	_ =	shalt  }
0x56: {  	_ =	shalt  }
0x57: {  	_ =	shalt  }
0x58: {  	_ =	shalt  }
0x59: {  	_ =	shalt  }
0x5a: {  	_ =	shalt  }
0x5b: {  	_ =	shalt  }
0x5c: {  	_ =	shalt  }
0x5d: {  	_ =	shalt  }
0x5e: {  	_ =	shalt  }
0x5f: {  	_ =	shalt  }
0x60: {  	_ =	shalt  }
0x61: {  	_ =	shalt  }
0x62: {  	_ =	shalt  }
0x63: {  	_ =	shalt  }
0x64: {  	_ =	shalt  }
0x65: {  	_ =	shalt  }
0x66: {  	_ =	shalt  }
0x67: {  	_ =	shalt  }
0x68: {  	_ =	shalt  }
0x69: {  	_ =	shalt  }
0x6a: {  	_ =	shalt  }
0x6b: {  	_ =	shalt  }
0x6c: {  	_ =	shalt  }
0x6d: {  	_ =	shalt  }
0x6e: {  	_ =	shalt  }
0x6f: {  	_ =	shalt  }
0x70: {  	_ =	shalt  }
0x71: {  	_ =	shalt  }
0x72: {  	_ =	shalt  }
0x73: {  	_ =	shalt  }
0x74: {  	_ =	shalt  }
0x75: {  	_ =	shalt  }
0x76: {  	_ =	shalt  }
0x77: {  	_ =	shalt  }
0x78: {  	_ =	shalt  }
0x79: {  	_ =	shalt  }
0x7a: {  	_ =	shalt  }
0x7b: {  	_ =	shalt  }
0x7c: {  	_ =	shalt  }
0x7d: {  	_ =	shalt  }
0x7e: {  	_ =	shalt  }
0x7f: {  	_ =	shalt  }
0x80: {  	_ =	shalt  }
0x81: {  	_ =	shalt  }
0x82: {  	_ =	shalt  }
0x83: {  	_ =	shalt  }
0x84: {  	_ =	shalt  }
0x85: {  	_ =	shalt  }
0x86: {  	_ =	shalt  }
0x87: {  	_ =	shalt  }
.Lfunc_end0:
.L_simem_size_0:
called_computation_lowered:
.L_overlay_start_0:
0x88: {  	s2 =	sld [smem:$0x3FD9]  }
0x89: {  	s3 =	sld [smem:$0x3FFE];
	_ =	sdelay $0x1  }
0x8a: {  	s1 =	srdreg.scid  }
0x8b: {  	s0 =	sand.u32 $0x1, s1  }
0x8c: {  	s16 =	sshll.u32 s0, $0xA;
	s2 =	sadd.s32 s3, s2  }
0x8d: {  	s2 =	sadd.s32 s2, s16  }
0x8e: {  	[smem:$0x3FC0] =	sst s2  }
0x8f: {  	_ = 	snop  }
0x90: {  	(tm) =	ssettm $0x1  }
0x91: {  	s17 =	sld [smem:$0x3FFB];
	_ =	sdelay $0x3  }
0x92: {  	_ =	strace s17  }
0x93: {  	s2 =	sld [smem:$0x3FFC];
	_ =	sdelay $0x3  }
0x94: {  	_ =	strace s2  }
0x95: {  	s2 =	sld [smem:$0x3FFD];
	_ =	sdelay $0x3  }
0x96: {  	_ =	strace s2  }
0x97: {  	_ =	strace $0x8FFFFFFF  }
0x98: {  	s18 =	sld [smem:$0x3FDB];
	_ =	sdelay $0x1  }
0x99: {  	s19 =	simm.s32 $_scs_section_size  }
0x9a: {  	s4 =	simm.s32 $_size__tile_overlayer_lowered;
	s5 =	simm.s32 $_tile_overlayer_lowered  }
0x9b: {  	s22 =	simm.s32 $0x1BFF;
	s21 =	sshll.u32 s5, $0x1;
	s2 =	sadd.s32 s19, s18  }
0x9c: {  	s6 =	simm.s32 $0x0;
	s20 =	sshll.u32 s4, $0x1;
	s4 =	sadd.s32 s21, s2  }
0x9d: {  	[timem:s6], [sflag:s22] =	dma.local [hbm:s4], s20  }
0x9e: {  	_ =	swait.ge [sflag:s22], s20  }
0x9f: {  	s3 =	ssub.s32 $0x0, s20;
	[sflag:s22] =	ssyncset.done $0x0  }
0xa0: {  	[sflag:s22] =	ssyncadd.s32 s3;
	_ =	sdelay $0x1  }
0xa1: {  	s23 =	simm.s32 $0x1B8B  }
0xa2: {  	_ =	swait.ge [sflag:s23], $0x1  }
0xa3: {  	[sflag:s23] =	ssyncset.done $0x0  }
0xa4: {  	s25 =	simm.s32 $0x1B8E;
	s24 =	sld [smem:$0x3FFE];
	[sflag:s23] =	ssyncadd.s32 $0xFFFFFFFF  }
0xa5: {  	s26 =	simm.s32 $execute0_lowered;
	[smem:$0x3FD2] =	sst s25  }
0xa6: {  	s4 =	sshll.u32 s26, $0x1;
	_ =	strace $0x80000046;
	[dreg:$0x1] =	wrdreg $0xFFFFFFFF  }
0xa7: {  	s28 =	simm.s32 $_size_execute0_lowered;
	s2 =	sadd.s32 s2, s4;
	[dreg:$0x0] =	wrdreg $0x0  }
0xa8: {  	s4 =	sshll.u32 s28, $0x1;
	[dreg:$0x2] =	wrdreg s2  }
0xa9: {  	[dreg:$0x3] =	wrdreg s4  }
0xaa: {  	[dreg:$0x4] =	wrdreg $0xC0  }
0xab: {  	_ =	task [dreg:s6], $0x5FFFF  }
0xac: {  	[dreg:$0x1] =	wrdreg $0xFFFFFFFF  }
0xad: {  	[dreg:$0x0] =	wrdreg $0x60  }
0xae: {  	[dreg:$0x2] =	wrdreg s24  }
0xaf: {  	[dreg:$0x3] =	wrdreg $0x9  }
0xb0: {  	_ =	task.clear_ibuf [dreg:s6], $0x4FFFF;
	_ =	strace $0x90000046  }
0xb1: {  	s29 =	simm.s32 $0x9;
	_ =	strace $0x80000048  }
0xb2: {  	_ =	swait.ge [sflag:s29], $0x1  }
0xb3: {  	[sflag:s29] =	ssyncadd.s32 $0xFFFFFFFF  }
0xb4: {  	_ =	strace $0x90000048  }
0xb5: {  	_ =	sfence  }
0xb6: {  	s30 =	sld [smem:$0x0];
	_ =	sdelay $0x2  }
0xb7: {  	s31 =	sshll.u32 s1, $0xD;
	s1 =	sshrl.u32 s1, $0x2  }
0xb8: {  	s3 =	sand.u32 $0x4000, s31;
	s1 =	sadd.s32 s1, s30  }
0xb9: {  	s0 =	sor.u32 s3, s0;
	s1 =	sshll.u32 s1, $0x11  }
0xba: {  	s0 =	sor.u32 s1, s0  }
0xbb: {  	s0 =	sadd.s32 $0x8F2B, s0  }
0xbc: {  	[sflag:s0] =	ssyncadd.remote.s32 $0x1  }
0xbd: {  	_ =	sfence.sel $0xFFFF  }
0xbe: {  	[dreg:$0x0] =	wrdreg $0xFFFFFFFF;
	(pc) =	sbr.abs _section_cstart, $3  }
0xbf: {  	[dreg:$0x1] =	wrdreg $0xFFFFFFFF  }
0xc0: {  	_ =	task.clear_ibuf [dreg:s6], $0x2FFFF;
	_ =	strace $0x9FFFFFFF  }
0xc1: {  	(tm) =	ssettm $0x7FFFFFFF  }
tec
execute0_lowered:
.L_overlay_start_1:
0x0: {  	(tag) =	ssettag $0x1  }
0x1: {  	s1 =	srdreg.scid;
	s0 =	stileid.u32  }
0x2: {  	s4 =	sand.u32 $0x1, s1;
	s2 =	sshll.u32 s0, $0x1  }
0x3: {  	s3 =	rddreg [dreg:$0x0];
	s5 =	sor.u32 s4, s2  }
0x4: {  	s7 =	simm.s32 $0x2710;
	s8 =	simm.s32 $0x0;
	s5 =	smul.u32 $0x4E2, s5  }
0x5: {  	s1 =	rddreg [dreg:$0x1];
	s2 =	simm.s32 $0x0;
	s4 =	ssub.s32 $0x2, s4  }
0x6: {  	[smem:$0x7FF] =	sst s2;
	s6 =	sshrl.u32 s4, $0x1;
	s5 =	sadd.s32 s5, s3  }
0x7: {  	_ =	strace $0x80000047;
	s6 =	ssub.s32 s4, s6;
	s3 =	sadd.s32 $0x1400, s5  }
0x8: {  	v0 =	vimm.f32 $0.0e+00;
	v1 =	vimm.f32 $1.000000000e+00;
	s4 =	sadd.s32 $0xB200, s5;
	s5 =	smax.u32 s6, $0x1;
	s6 =	simm.s32 $0x1  }
.LBB2_1:
0x9: {  	s9 =	simm.s32 $0x40;
	s10 =	simm.s32 $0x0  }
.LBB2_2:
0xa: {  	p0 =	sne.s32 s9, $0x9C00;
	[tilespmem:s10+$0x2710] =	vst v0;
	s10 =	smov.u32 s9;
	s9 =	sadd.s32 $0x40, s9  }
.Ltmp0:
0xb: {  	(pc) =	sbr.rel @p0 .LBB2_2-.Ltmp0, $2  }
0xc: {  	_ =	sdelay $0x2  }
0xd: {  	s10 =	sshra.s32 s10, $0x2  }
0xe: {  	[tilespmem:s10+$0x2710] =	vst v0;
	s9 =	simm.s32 $0x0  }
0xf: {  	[tilespmem:s9], [sflag:$0x1] =	stream.linear.gather [hbm4b:s3+s9], $0x2710, $0x38;
	[tilespmem:$0x4E20] =	vst v63  }
0x10: {  	_ =	swait.ge [sflag:s6], $0x2710  }
0x11: {  	[sflag:s6] =	ssyncset.done $0x0  }
0x12: {  	s10 =	simm.s32 $0x0;
	s9 =	simm.s32 $0x40;
	[sflag:s6] =	ssyncadd.s32 $0xFFFFD8F0  }
.LBB2_4:
0x13: {  	p0 =	sne.s32 s9, $0x9C00;
	v2 =	vld [tilespmem:s10+$0x0];
	_ =	sdelay $0x3  }
.Ltmp1:
0x14: {  	(pc) =	sbr.rel @p0 .LBB2_4-.Ltmp1, $2  }
0x15: {  	_ =	sdelay $0x2  }
0x16: {  	s10 =	sshra.s32 s9, $0x2;
	s9 =	sadd.s32 $0x40, s9;
	[tilespmem:v2+s7+$0x0] =	vst.idx.add.f32.msk $0xffff, v1  }
0x17: {  	v2 =	vld [tilespmem:s10+$0x0];
	_ =	sdelay $0x5  }
0x18: {  	s8 =	sadd.s32 $0x1, s8  }
0x19: {  	p0 =	sne.s32 s8, s5  }
.Ltmp2:
0x1a: {  	[tilespmem:v2+s7+$0x0] =	vst.idx.add.f32.msk $0xffff, v1;
	(pc) =	sbr.rel @p0 .LBB2_1-.Ltmp2, $4  }
0x1b: {  	[hbm4b:s4+s2] =	stream.linear.scatter [tilespmem:s7], [sflag:$0x1], $0x2710, $0x38;
	[tilespmem:$0x4E20] =	vst v63  }
0x1c: {  	_ =	swait.ge [sflag:s6], $0x2710  }
0x1d: {  	[sflag:s6] =	ssyncset.done $0x0  }
0x1e: {  	[sflag:s6] =	ssyncadd.s32 $0xFFFFD8F0  }
0x1f: {  	_ =	sfence.sel $0x180000  }
0x20: {  	[bflag:$0x0] =	sbarrier.arrive $0xFFFF  }
0x21: {  	p0 =	sne.s32 s0, $0x0;
	_ =	strace $0x90000047  }
0x22: {  	s0 =	sadd.s32 @!p0 $0x100000, s1;
	[bflag:$0x2] =	sbarrier.arrive $0xFFFF  }
0x23: {  	[sflag:s0] =	ssyncadd.tile.s32 @!p0 $0x1;
	_ =	shalt  }
.Lfunc_end2:
_tile_overlayer_lowered:
.L_overlay_start_2:
0x24: {  	(tag) =	ssettag $0x2  }
0x25: {  	s0 =	rddreg [dreg:$0x0];
	s2 =	stileid.u32  }
0x26: {  	s1 =	rddreg [dreg:$0x1];
	p0 =	sne.s32 s2, $0x0  }
0x27: {  	s3 =	rddreg [dreg:$0x2];
	[bflag:$0x3] =	sbarrier.arrive $0xFFFF;
	s2 =	simm.s32 @!p0 $0x1C01  }
0x28: {  	[timem:s3], [sflag:s2] =	dma.local @!p0 [hbm:s0], s1  }
0x29: {  	s0 =	simm.s32 @!p0 $0x1  }
0x2a: {  	_ =	swait.ge @!p0 [sflag:s0], s1  }
0x2b: {  	s1 =	ssub.s32 @!p0 $0x0, s1;
	[sflag:s0] =	ssyncset.done @!p0 $0x0  }
0x2c: {  	[sflag:s0] =	ssyncadd.s32 @!p0 s1  }
0x2d: {  	[bflag:$0x3] =	sbarrier.arrive $0xFFFF  }
0x2e: {  	_ =	shalt  }

// kernel: kernel.9.cloned.1.call-start
scs
__scs_entry_jumppad:
0x0: {  	(pc) =	sbr.rel $0x88, $3  }
0x1: {  	(tag) =	ssettag $0x0;
	lr =	simm.s32 $0x1  }
0x2: {  	[smem:$0x3F99] =	sst lr;
	_ =	strace $0xD0000000  }
0x3: {  	_ = 	snop  }
0x4: {  	_ = 	snop  }
0x5: {  	_ = 	snop  }
0x6: {  	_ = 	snop  }
0x7: {  	_ = 	snop  }
__scs_overlays_trampoline_lowered:
0x8: {  	[smem:$0x3FA8] =	sst s0  }
0x9: {  	[smem:$0x3FA9] =	sst s1  }
0xa: {  	[smem:$0x3FAA] =	sst s2  }
0xb: {  	[smem:$0x3FAB] =	sst s3  }
0xc: {  	[smem:$0x3FAC] =	sst s4  }
0xd: {  	[smem:$0x3FAD] =	sst s5  }
0xe: {  	[smem:$0x3FAE] =	sst s6  }
0xf: {  	[smem:$0x3FAF] =	sst s7  }
0x10: {  	[smem:$0x3FB0] =	sst s8  }
0x11: {  	[smem:$0x3FB1] =	sst s9;
	s0 =	simm.s32 @!p0 $0x0  }
0x12: {  	s1 =	sld [smem:$0x3F97];
	s0 =	simm.s32 @p0 $0x1  }
0x13: {  	[smem:$0x3FB2] =	sst s0;
	s0 =	simm.s32 @!p1 $0x0  }
0x14: {  	s2 =	sld [smem:$0x3F96];
	s0 =	simm.s32 @p1 $0x1  }
0x15: {  	[smem:$0x3FB3] =	sst s0;
	s0 =	simm.s32 @!p2 $0x0  }
0x16: {  	s3 =	sld [smem:$0x3FDB];
	s0 =	simm.s32 @p2 $0x1  }
0x17: {  	s4 =	simm.s32 $0x1BF5;
	[smem:$0x3FB5] =	sst s0  }
0x18: {  	s0 =	sld [smem:$0x3F98];
	_ =	swait.ge [sflag:s4], $0x0  }
0x19: {  	s7 =	sld [smem:$0x3F99]  }
0x1a: {  	s8 =	sadd.s32 $0xFFFFE003, lr  }
0x1b: {  	s9 =	sadd.s32 $0xFFFFFEF7, lr;
	s5 =	simm.s32 $0xFFFFFFFF;
	p2 =	slt.u32 s8, $0xFFFFF086  }
0x1c: {  	p1 =	slt.u32 s9, $0xF7A;
	s5 =	simm.s32 @!p2 $0x0  }
0x1d: {  	s5 =	simm.s32 @p1 $0x1;
	p0 =	seq.s32 s7, s2  }
0x1e: {  	s7 =	smul.u32 @!p0 $0xF7A, s2;
	p2 =	seq.s32 @!p0 s5, $0x0  }
0x1f: {  	s9 =	smul.u32 $0xF7A, s1;
	s8 =	simm.s32 @!p0 $0x1BF5;
	p2 =	por !p2, p0  }
0x20: {  	[sflag:s8] =	ssyncset.s32 @!p0 $0xFFFFF086;
	s6 =	sadd.s32 @!p0 s3, s7;
	s7 =	simm.s32 @!p0 $0x108  }
0x21: {  	s3 =	sadd.s32 s3, s9;
	s6 =	sadd.s32 @!p0 $0x88, s6;
	s7 =	simm.s32 @p2 $0x1082  }
0x22: {  	[simem:s7], [sflag:s8] =	dma.local @!p0 [hbm:s6], $0xF7A  }
0x23: {  	s9 =	sor.u32 $0xD0000000, s2;
	s6 =	simm.s32 $0x108;
	_ =	swait.ge @!p0 [sflag:s8], $0x0  }
0x24: {  	s3 =	sadd.s32 $0x88, s3;
	s6 =	simm.s32 @!p1 $0x1082;
	[sflag:s4] =	ssyncset.s32 $0xFFFFF086  }
0x25: {  	[simem:s6], [sflag:s4] =	dma.local [hbm:s3], $0xF7A  }
0x26: {  	[smem:$0x3F99] =	sst s1;
	(tag) =	ssettag s2;
	_ =	strace s9  }
0x27: {  	s1 =	sld [smem:$0x3FA9]  }
0x28: {  	s2 =	sld [smem:$0x3FAA]  }
0x29: {  	s4 =	sld [smem:$0x3FAC]  }
0x2a: {  	p0 =	seq.s32 s5, $0x0;
	s5 =	sld [smem:$0x3FAD]  }
0x2b: {  	s6 =	sld [smem:$0x3FAE]  }
0x2c: {  	s7 =	sld [smem:$0x3FAF]  }
0x2d: {  	s3 =	simm.s32 $0x108;
	s8 =	sld [smem:$0x3FB0]  }
0x2e: {  	s3 =	simm.s32 @!p0 $0x1082;
	s9 =	sld [smem:$0x3FB1]  }
0x2f: {  	lr =	sadd.s32 s0, s3;
	s0 =	sld [smem:$0x3FA8]  }
0x30: {  	s3 =	sld [smem:$0x3FAB]  }
0x31: {  	[smem:$0x3FB4] =	sst s10  }
0x32: {  	s10 =	sld [smem:$0x3FB2];
	_ =	sdelay $0x3  }
0x33: {  	p0 =	seq.s32 s10, $0x1;
	s10 =	sld [smem:$0x3FB4];
	_ =	sdelay $0x3  }
0x34: {  	[smem:$0x3FB4] =	sst s10  }
0x35: {  	s10 =	sld [smem:$0x3FB3];
	_ =	sdelay $0x3  }
0x36: {  	p1 =	seq.s32 s10, $0x1;
	s10 =	sld [smem:$0x3FB4];
	_ =	sdelay $0x3  }
0x37: {  	[smem:$0x3FB4] =	sst s10  }
0x38: {  	s10 =	sld [smem:$0x3FB5]  }
0x39: {  	_ = 	snop;
	(pc) =	sbr.ind lr, $3  }
0x3a: {  	_ = 	snop  }
0x3b: {  	_ = 	snop  }
0x3c: {  	p2 =	seq.s32 s10, $0x1;
	s10 =	sld [smem:$0x3FB4]  }
0x3d: {  	_ =	shalt  }
0x3e: {  	_ =	shalt  }
0x3f: {  	_ =	shalt  }
0x40: {  	_ =	shalt  }
0x41: {  	_ =	shalt  }
0x42: {  	_ =	shalt  }
0x43: {  	_ =	shalt  }
0x44: {  	_ =	shalt  }
0x45: {  	_ =	shalt  }
0x46: {  	_ =	shalt  }
0x47: {  	_ =	shalt  }
0x48: {  	_ =	shalt  }
0x49: {  	_ =	shalt  }
0x4a: {  	_ =	shalt  }
0x4b: {  	_ =	shalt  }
0x4c: {  	_ =	shalt  }
0x4d: {  	_ =	shalt  }
0x4e: {  	_ =	shalt  }
0x4f: {  	_ =	shalt  }
0x50: {  	_ =	shalt  }
0x51: {  	_ =	shalt  }
0x52: {  	_ =	shalt  }
0x53: {  	_ =	shalt  }
0x54: {  	_ =	shalt  }
0x55: {  	_ =	shalt  }
0x56: {  	_ =	shalt  }
0x57: {  	_ =	shalt  }
0x58: {  	_ =	shalt  }
0x59: {  	_ =	shalt  }
0x5a: {  	_ =	shalt  }
0x5b: {  	_ =	shalt  }
0x5c: {  	_ =	shalt  }
0x5d: {  	_ =	shalt  }
0x5e: {  	_ =	shalt  }
0x5f: {  	_ =	shalt  }
0x60: {  	_ =	shalt  }
0x61: {  	_ =	shalt  }
0x62: {  	_ =	shalt  }
0x63: {  	_ =	shalt  }
0x64: {  	_ =	shalt  }
0x65: {  	_ =	shalt  }
0x66: {  	_ =	shalt  }
0x67: {  	_ =	shalt  }
0x68: {  	_ =	shalt  }
0x69: {  	_ =	shalt  }
0x6a: {  	_ =	shalt  }
0x6b: {  	_ =	shalt  }
0x6c: {  	_ =	shalt  }
0x6d: {  	_ =	shalt  }
0x6e: {  	_ =	shalt  }
0x6f: {  	_ =	shalt  }
0x70: {  	_ =	shalt  }
0x71: {  	_ =	shalt  }
0x72: {  	_ =	shalt  }
0x73: {  	_ =	shalt  }
0x74: {  	_ =	shalt  }
0x75: {  	_ =	shalt  }
0x76: {  	_ =	shalt  }
0x77: {  	_ =	shalt  }
0x78: {  	_ =	shalt  }
0x79: {  	_ =	shalt  }
0x7a: {  	_ =	shalt  }
0x7b: {  	_ =	shalt  }
0x7c: {  	_ =	shalt  }
0x7d: {  	_ =	shalt  }
0x7e: {  	_ =	shalt  }
0x7f: {  	_ =	shalt  }
0x80: {  	_ =	shalt  }
0x81: {  	_ =	shalt  }
0x82: {  	_ =	shalt  }
0x83: {  	_ =	shalt  }
0x84: {  	_ =	shalt  }
0x85: {  	_ =	shalt  }
0x86: {  	_ =	shalt  }
0x87: {  	_ =	shalt  }
.Lfunc_end0:
.L_simem_size_0:
called_computation.1_lowered:
.L_overlay_start_0:
0x88: {  	s2 =	sld [smem:$0x3FD9]  }
0x89: {  	s3 =	sld [smem:$0x3FFE];
	_ =	sdelay $0x1  }
0x8a: {  	s1 =	srdreg.scid  }
0x8b: {  	s0 =	sand.u32 $0x1, s1  }
0x8c: {  	s17 =	sshll.u32 s0, $0xA;
	s2 =	sadd.s32 s3, s2  }
0x8d: {  	s2 =	sadd.s32 s2, s17  }
0x8e: {  	[smem:$0x3FC0] =	sst s2  }
0x8f: {  	_ = 	snop  }
0x90: {  	s2 =	sld [smem:$0x3FD0];
	(tm) =	ssettm $0x1  }
0x91: {  	s18 =	sld [smem:$0x3FFB];
	_ =	sdelay $0x3  }
0x92: {  	_ =	strace s18  }
0x93: {  	s3 =	sld [smem:$0x3FFC];
	_ =	sdelay $0x3  }
0x94: {  	_ =	strace s3  }
0x95: {  	s3 =	sld [smem:$0x3FFD];
	_ =	sdelay $0x3  }
0x96: {  	_ =	strace s3  }
0x97: {  	_ =	strace $0x8FFFFFFF  }
0x98: {  	s19 =	sld [smem:$0x3FDB];
	_ =	sdelay $0x1  }
0x99: {  	s4 =	simm.s32 $_scs_section_size  }
0x9a: {  	s5 =	simm.s32 $_size__tile_overlayer_lowered;
	s6 =	simm.s32 $_tile_overlayer_lowered  }
0x9b: {  	s22 =	simm.s32 $0x1BFF;
	s21 =	sshll.u32 s6, $0x1;
	s3 =	sadd.s32 s4, s19  }
0x9c: {  	s7 =	simm.s32 $0x0;
	s20 =	sshll.u32 s5, $0x1;
	s5 =	sadd.s32 s21, s3  }
0x9d: {  	[timem:s7], [sflag:s22] =	dma.local [hbm:s5], s20  }
0x9e: {  	_ =	swait.ge [sflag:s22], s20  }
0x9f: {  	s4 =	ssub.s32 $0x0, s20;
	[sflag:s22] =	ssyncset.done $0x0  }
0xa0: {  	[sflag:s22] =	ssyncadd.s32 s4;
	_ =	sdelay $0x1  }
0xa1: {  	s23 =	simm.s32 $0x1B8B  }
0xa2: {  	_ =	swait.ge [sflag:s23], $0x1  }
0xa3: {  	[sflag:s23] =	ssyncset.done $0x0  }
0xa4: {  	s25 =	simm.s32 $0x1B8E;
	s24 =	sld [smem:$0x3FFE];
	[sflag:s23] =	ssyncadd.s32 $0xFFFFFFFF  }
0xa5: {  	s26 =	simm.s32 $execute0_lowered;
	[smem:$0x3FD2] =	sst s25  }
0xa6: {  	s5 =	sshll.u32 s26, $0x1;
	_ =	strace $0x80000049;
	[dreg:$0x1] =	wrdreg $0xFFFFFFFF  }
0xa7: {  	s28 =	simm.s32 $_size_execute0_lowered;
	s3 =	sadd.s32 s3, s5;
	[dreg:$0x0] =	wrdreg $0x0  }
0xa8: {  	s5 =	sshll.u32 s28, $0x1;
	[dreg:$0x2] =	wrdreg s3  }
0xa9: {  	[dreg:$0x3] =	wrdreg s5  }
0xaa: {  	[dreg:$0x4] =	wrdreg $0xC0  }
0xab: {  	_ =	task [dreg:s7], $0x5FFFF  }
0xac: {  	[dreg:$0x1] =	wrdreg $0xFFFFFFFF  }
0xad: {  	[dreg:$0x0] =	wrdreg $0x60  }
0xae: {  	[dreg:$0x2] =	wrdreg s24  }
0xaf: {  	[dreg:$0x3] =	wrdreg s2  }
0xb0: {  	[dreg:$0x4] =	wrdreg $0x100400  }
0xb1: {  	[dreg:$0x5] =	wrdreg $0x9  }
0xb2: {  	_ =	task.clear_ibuf [dreg:s7], $0x6FFFF;
	_ =	strace $0x90000049  }
0xb3: {  	s29 =	simm.s32 $0x9;
	_ =	strace $0x8000004B  }
0xb4: {  	_ =	swait.ge [sflag:s29], $0x1  }
0xb5: {  	[sflag:s29] =	ssyncadd.s32 $0xFFFFFFFF  }
0xb6: {  	_ =	strace $0x9000004B  }
0xb7: {  	_ =	sfence  }
0xb8: {  	s30 =	sld [smem:$0x0];
	_ =	sdelay $0x2  }
0xb9: {  	s31 =	sshll.u32 s1, $0xD;
	s1 =	sshrl.u32 s1, $0x2  }
0xba: {  	s3 =	sand.u32 $0x4000, s31;
	s1 =	sadd.s32 s1, s30  }
0xbb: {  	s0 =	sor.u32 s3, s0;
	s1 =	sshll.u32 s1, $0x11  }
0xbc: {  	s0 =	sor.u32 s1, s0  }
0xbd: {  	s0 =	sadd.s32 $0x8F2B, s0  }
0xbe: {  	[sflag:s0] =	ssyncadd.remote.s32 $0x1  }
0xbf: {  	_ =	sfence.sel $0xFFFF  }
0xc0: {  	[dreg:$0x0] =	wrdreg $0xFFFFFFFF;
	(pc) =	sbr.abs _section_cstart, $3  }
0xc1: {  	[dreg:$0x1] =	wrdreg $0xFFFFFFFF  }
0xc2: {  	_ =	task.clear_ibuf [dreg:s7], $0x2FFFF;
	_ =	strace $0x9FFFFFFF  }
0xc3: {  	(tm) =	ssettm $0x7FFFFFFF  }
tec
execute0_lowered:
.L_overlay_start_1:
0x0: {  	(tag) =	ssettag $0x1  }
0x1: {  	s0 =	rddreg [dreg:$0x0]  }
0x2: {  	s2 =	rddreg [dreg:$0x1]  }
0x3: {  	s1 =	rddreg [dreg:$0x2]  }
0x4: {  	s3 =	srdreg.scid;
	s10 =	stileid.u32;
	s13 =	simm.s32 $0xB  }
0x5: {  	s15 =	simm.s32 $0x1;
	s16 =	simm.s32 $0x50;
	s17 =	simm.s32 $0x9C40  }
0x6: {  	s18 =	simm.s32 $0xB040;
	s20 =	simm.s32 $0xC440;
	s22 =	simm.s32 $0xD840  }
0x7: {  	s24 =	simm.s32 $0xEC40;
	s28 =	simm.s32 $0x4;
	s29 =	simm.s32 $0x5  }
0x8: {  	s30 =	simm.s32 $0x6;
	s31 =	simm.s32 $0x7;
	s14 =	simm.s32 $0xA  }
0x9: {  	s4 =	sand.u32 $0x1, s3;
	s3 =	simm.s32 $0x0;
	s6 =	smul.u32 $0x9C40, s10  }
0xa: {  	s23 =	simm.s32 $0x0;
	s8 =	smul.u32 $0x9C4, s10;
	[smem:$0x7FF] =	sst s3  }
0xb: {  	s5 =	smul.u32 $0x9C400, s4;
	s4 =	ssub.s32 $0x2, s4;
	_ =	strace $0x8000004A  }
0xc: {  	s9 =	sadd.s32 s8, s0;
	s25 =	sshrl.u32 s4, $0x1;
	s26 =	sshrl.u32 s6, $0x3  }
0xd: {  	s12 =	sadd.s32 s6, s1;
	s8 =	sadd.s32 s2, s8;
	s2 =	simm.s32 $0x9  }
0xe: {  	s7 =	sshrl.u32 s5, $0x3;
	s5 =	sadd.s32 s6, s5;
	s11 =	ssub.s32 s4, s25  }
0xf: {  	s6 =	sshll.u32 s10, $0x6;
	s9 =	sadd.s32 $0x1400, s9;
	s12 =	sshrl.u32 s12, $0x3  }
0x10: {  	s25 =	simm.s32 $0x2;
	s7 =	sadd.s32 s7, s0;
	s5 =	sshrl.u32 s5, $0x3  }
0x11: {  	s11 =	smax.u32 s11, $0x1;
	s0 =	sadd.s32 s5, s0;
	s4 =	sadd.s32 $0xB200, s7  }
0x12: {  	s7 =	sor.u32 $0x1C01, s6;
	s5 =	sadd.s32 s26, s4;
	s10 =	sadd.s32 $0x32400, s0  }
0x13: {  	s26 =	simm.s32 $0x3;
	s0 =	simm.s32 $0x8;
	[dreg:$0x4] =	wrdreg s5  }
.LBB2_1:
0x14: {  	s5 =	rddreg [dreg:$0x4]  }
0x15: {  	[spmem:s12], [sflag:s7] =	dma.local [hbm:s5], $0x1388  }
0x16: {  	[tilespmem:s3], [sflag:$0xB] =	stream.linear.gather [hbm4b:s8+s3], $0x4E20, $0x38;
	[tilespmem:$0x19C80] =	vst v63  }
0x17: {  	_ =	swait.ge [sflag:s13], $0x4E20  }
0x18: {  	[sflag:s13] =	ssyncset.done $0x0  }
0x19: {  	s19 =	simm.s32 $0x4E20;
	[sflag:s13] =	ssyncadd.s32 $0xFFFFB1E0  }
0x1a: {  	[tilespmem:s19], [sflag:$0xB] =	stream.linear.gather [hbm4b:s9+s3], $0x4E20, $0x38;
	[tilespmem:$0x19C80] =	vst v63  }
0x1b: {  	_ =	swait.ge [sflag:s13], $0x4E20  }
0x1c: {  	[sflag:s13] =	ssyncset.done $0x0  }
0x1d: {  	[sflag:s13] =	ssyncadd.s32 $0xFFFFB1E0  }
0x1e: {  	_ =	swait.ge [sflag:s15], $0x1388  }
0x1f: {  	[sflag:s15] =	ssyncset.done $0x0  }
0x20: {  	[sflag:s15] =	ssyncadd.s32 $0xFFFFEC78  }
0x21: {  	[bflag:$0x0] =	sbarrier.arrive $0xFFFF  }
0x22: {  	[tilespmem:s17], [sflag:$0x1] =	stream.indirect.gather [hbm4b:s4+s16], $0x40, s3, s16, $0xb8;
	[tilespmem:$0x19C80] =	vst v63  }
0x23: {  	_ = 	snop  }
0x24: {  	[tilespmem:s18], [sflag:$0x2] =	stream.indirect.gather [hbm4b:s4+s16], $0x40, s16, s16, $0xb8;
	[tilespmem:$0x19C80] =	vst v63  }
0x25: {  	s21 =	simm.s32 $0xA0  }
0x26: {  	[tilespmem:s20], [sflag:$0x3] =	stream.indirect.gather [hbm4b:s4+s16], $0x40, s21, s16, $0xb8;
	[tilespmem:$0x19C80] =	vst v63  }
0x27: {  	s19 =	simm.s32 $0xF0  }
0x28: {  	[tilespmem:s22], [sflag:$0x4] =	stream.indirect.gather [hbm4b:s4+s16], $0x40, s19, s16, $0xb8;
	[tilespmem:$0x19C80] =	vst v63  }
0x29: {  	s21 =	simm.s32 $0x140  }
0x2a: {  	[tilespmem:s24], [sflag:$0x5] =	stream.indirect.gather [hbm4b:s4+s16], $0x40, s21, s16, $0xb8;
	[tilespmem:$0x19C80] =	vst v63  }
0x2b: {  	_ =	swait.ge [sflag:s15], $0x1400  }
0x2c: {  	[sflag:s15] =	ssyncset.done $0x0  }
0x2d: {  	s19 =	simm.s32 $0x4E20;
	[sflag:s15] =	ssyncadd.s32 $0xFFFFEC00  }
0x2e: {  	[spmem:s1] =	stream.indirect.scatter.add.f32 [tilespmem:s17], [sflag:$0x6], $0x40, s19, s16, $0xb8;
	[tilespmem:$0x19C80] =	vst v63  }
0x2f: {  	_ =	swait.ge [sflag:s25], $0x1400  }
0x30: {  	[sflag:s25] =	ssyncset.done $0x0  }
0x31: {  	s5 =	simm.s32 $0x4E70;
	[sflag:s25] =	ssyncadd.s32 $0xFFFFEC00  }
0x32: {  	[spmem:s1] =	stream.indirect.scatter.add.f32 [tilespmem:s18], [sflag:$0x7], $0x40, s5, s16, $0xb8;
	[tilespmem:$0x19C80] =	vst v63  }
0x33: {  	_ =	swait.ge [sflag:s26], $0x1400  }
0x34: {  	[sflag:s26] =	ssyncset.done $0x0  }
0x35: {  	s21 =	simm.s32 $0x4EC0;
	[sflag:s26] =	ssyncadd.s32 $0xFFFFEC00  }
0x36: {  	[spmem:s1] =	stream.indirect.scatter.add.f32 [tilespmem:s20], [sflag:$0x8], $0x40, s21, s16, $0xb8;
	[tilespmem:$0x19C80] =	vst v63  }
0x37: {  	_ =	swait.ge [sflag:s28], $0x1400  }
0x38: {  	[sflag:s28] =	ssyncset.done $0x0  }
0x39: {  	s5 =	simm.s32 $0x4F10;
	[sflag:s28] =	ssyncadd.s32 $0xFFFFEC00  }
0x3a: {  	[spmem:s1] =	stream.indirect.scatter.add.f32 [tilespmem:s22], [sflag:$0x9], $0x40, s5, s16, $0xb8;
	[tilespmem:$0x19C80] =	vst v63  }
0x3b: {  	_ =	swait.ge [sflag:s29], $0x1400  }
0x3c: {  	[sflag:s29] =	ssyncset.done $0x0  }
0x3d: {  	s21 =	simm.s32 $0x4F60;
	[sflag:s29] =	ssyncadd.s32 $0xFFFFEC00  }
0x3e: {  	[spmem:s1] =	stream.indirect.scatter.add.f32 [tilespmem:s24], [sflag:$0xA], $0x40, s21, s16, $0xb8;
	[tilespmem:$0x19C80] =	vst v63  }
0x3f: {  	_ =	swait.ge [sflag:s30], $0x1400  }
0x40: {  	[sflag:s30] =	ssyncset.done $0x0  }
0x41: {  	s5 =	simm.s32 $0x190;
	[sflag:s30] =	ssyncadd.s32 $0xFFFFEC00  }
0x42: {  	[tilespmem:s17], [sflag:$0x1] =	stream.indirect.gather [hbm4b:s4+s16], $0x40, s5, s16, $0xb8;
	[tilespmem:$0x19C80] =	vst v63  }
0x43: {  	_ =	swait.ge [sflag:s31], $0x1400  }
0x44: {  	[sflag:s31] =	ssyncset.done $0x0  }
0x45: {  	s21 =	simm.s32 $0x1E0;
	[sflag:s31] =	ssyncadd.s32 $0xFFFFEC00  }
0x46: {  	[tilespmem:s18], [sflag:$0x2] =	stream.indirect.gather [hbm4b:s4+s16], $0x40, s21, s16, $0xb8;
	[tilespmem:$0x19C80] =	vst v63  }
0x47: {  	_ =	swait.ge [sflag:s0], $0x1400  }
0x48: {  	[sflag:s0] =	ssyncset.done $0x0  }
0x49: {  	s5 =	simm.s32 $0x230;
	[sflag:s0] =	ssyncadd.s32 $0xFFFFEC00  }
0x4a: {  	[tilespmem:s20], [sflag:$0x3] =	stream.indirect.gather [hbm4b:s4+s16], $0x40, s5, s16, $0xb8;
	[tilespmem:$0x19C80] =	vst v63  }
0x4b: {  	_ =	swait.ge [sflag:s2], $0x1400  }
0x4c: {  	[sflag:s2] =	ssyncset.done $0x0  }
0x4d: {  	s21 =	simm.s32 $0x280;
	[sflag:s2] =	ssyncadd.s32 $0xFFFFEC00  }
0x4e: {  	[tilespmem:s22], [sflag:$0x4] =	stream.indirect.gather [hbm4b:s4+s16], $0x40, s21, s16, $0xb8;
	[tilespmem:$0x19C80] =	vst v63  }
0x4f: {  	_ =	swait.ge [sflag:s14], $0x1400  }
0x50: {  	[sflag:s14] =	ssyncset.done $0x0  }
0x51: {  	s19 =	simm.s32 $0x640;
	s21 =	simm.s32 $0x2D0;
	[sflag:s14] =	ssyncadd.s32 $0xFFFFEC00  }
.LBB2_2:
0x52: {  	[tilespmem:s24], [sflag:$0x5] =	stream.indirect.gather [hbm4b:s4+s16], $0x40, s21, s16, $0xb8;
	[tilespmem:$0x19C80] =	vst v63  }
0x53: {  	s21 =	smov.u32 s19  }
0x54: {  	p0 =	sne.s32 s19, $0x12C00;
	s19 =	sadd.s32 $0x640, s19;
	_ =	swait.ge [sflag:s15], $0x1400  }
0x55: {  	s21 =	sshra.s32 s21, $0x2;
	[sflag:s15] =	ssyncset.done $0x0  }
0x56: {  	s5 =	sadd.s32 $0x4E20, s21;
	[sflag:s15] =	ssyncadd.s32 $0xFFFFEC00  }
0x57: {  	[spmem:s1] =	stream.indirect.scatter.add.f32 [tilespmem:s17], [sflag:$0x6], $0x40, s5, s16, $0xb8;
	[tilespmem:$0x19C80] =	vst v63  }
0x58: {  	_ =	swait.ge [sflag:s25], $0x1400  }
0x59: {  	[sflag:s25] =	ssyncset.done $0x0  }
0x5a: {  	s5 =	sadd.s32 $0x4E70, s21;
	[sflag:s25] =	ssyncadd.s32 $0xFFFFEC00  }
0x5b: {  	[spmem:s1] =	stream.indirect.scatter.add.f32 [tilespmem:s18], [sflag:$0x7], $0x40, s5, s16, $0xb8;
	[tilespmem:$0x19C80] =	vst v63  }
0x5c: {  	_ =	swait.ge [sflag:s26], $0x1400  }
0x5d: {  	[sflag:s26] =	ssyncset.done $0x0  }
0x5e: {  	s5 =	sadd.s32 $0x4EC0, s21;
	[sflag:s26] =	ssyncadd.s32 $0xFFFFEC00  }
0x5f: {  	[spmem:s1] =	stream.indirect.scatter.add.f32 [tilespmem:s20], [sflag:$0x8], $0x40, s5, s16, $0xb8;
	[tilespmem:$0x19C80] =	vst v63  }
0x60: {  	_ =	swait.ge [sflag:s28], $0x1400  }
0x61: {  	[sflag:s28] =	ssyncset.done $0x0  }
0x62: {  	s5 =	sadd.s32 $0x4F10, s21;
	[sflag:s28] =	ssyncadd.s32 $0xFFFFEC00  }
0x63: {  	[spmem:s1] =	stream.indirect.scatter.add.f32 [tilespmem:s22], [sflag:$0x9], $0x40, s5, s16, $0xb8;
	[tilespmem:$0x19C80] =	vst v63  }
0x64: {  	_ =	swait.ge [sflag:s29], $0x1400  }
0x65: {  	[sflag:s29] =	ssyncset.done $0x0  }
0x66: {  	s5 =	sadd.s32 $0x4F60, s21;
	[sflag:s29] =	ssyncadd.s32 $0xFFFFEC00  }
0x67: {  	[spmem:s1] =	stream.indirect.scatter.add.f32 [tilespmem:s24], [sflag:$0xA], $0x40, s5, s16, $0xb8;
	[tilespmem:$0x19C80] =	vst v63  }
0x68: {  	_ =	swait.ge [sflag:s30], $0x1400  }
0x69: {  	[sflag:s30] =	ssyncset.done $0x0  }
0x6a: {  	s5 =	sadd.s32 $0x190, s21;
	[sflag:s30] =	ssyncadd.s32 $0xFFFFEC00  }
0x6b: {  	[tilespmem:s17], [sflag:$0x1] =	stream.indirect.gather [hbm4b:s4+s16], $0x40, s5, s16, $0xb8;
	[tilespmem:$0x19C80] =	vst v63  }
0x6c: {  	_ =	swait.ge [sflag:s31], $0x1400  }
0x6d: {  	[sflag:s31] =	ssyncset.done $0x0  }
0x6e: {  	s5 =	sadd.s32 $0x1E0, s21;
	[sflag:s31] =	ssyncadd.s32 $0xFFFFEC00  }
0x6f: {  	[tilespmem:s18], [sflag:$0x2] =	stream.indirect.gather [hbm4b:s4+s16], $0x40, s5, s16, $0xb8;
	[tilespmem:$0x19C80] =	vst v63  }
0x70: {  	_ =	swait.ge [sflag:s0], $0x1400  }
0x71: {  	[sflag:s0] =	ssyncset.done $0x0  }
0x72: {  	s5 =	sadd.s32 $0x230, s21;
	[sflag:s0] =	ssyncadd.s32 $0xFFFFEC00  }
0x73: {  	[tilespmem:s20], [sflag:$0x3] =	stream.indirect.gather [hbm4b:s4+s16], $0x40, s5, s16, $0xb8;
	[tilespmem:$0x19C80] =	vst v63  }
0x74: {  	_ =	swait.ge [sflag:s2], $0x1400  }
0x75: {  	[sflag:s2] =	ssyncset.done $0x0  }
.Ltmp0:
0x76: {  	s5 =	sadd.s32 $0x280, s21;
	[sflag:s2] =	ssyncadd.s32 $0xFFFFEC00;
	(pc) =	sbr.rel @p0 .LBB2_2-.Ltmp0, $4  }
0x77: {  	[tilespmem:s22], [sflag:$0x4] =	stream.indirect.gather [hbm4b:s4+s16], $0x40, s5, s16, $0xb8;
	[tilespmem:$0x19C80] =	vst v63  }
0x78: {  	_ =	swait.ge [sflag:s14], $0x1400  }
0x79: {  	[sflag:s14] =	ssyncset.done $0x0  }
0x7a: {  	s21 =	sadd.s32 $0x2D0, s21;
	[sflag:s14] =	ssyncadd.s32 $0xFFFFEC00  }
0x7b: {  	[tilespmem:s24], [sflag:$0x5] =	stream.indirect.gather [hbm4b:s4+s16], $0x40, s21, s16, $0xb8;
	[tilespmem:$0x19C80] =	vst v63  }
0x7c: {  	_ =	swait.ge [sflag:s15], $0x1400  }
0x7d: {  	[sflag:s15] =	ssyncset.done $0x0  }
0x7e: {  	s5 =	simm.s32 $0x9AB0;
	[sflag:s15] =	ssyncadd.s32 $0xFFFFEC00  }
0x7f: {  	[spmem:s1] =	stream.indirect.scatter.add.f32 [tilespmem:s17], [sflag:$0x6], $0x40, s5, s16, $0xb8;
	[tilespmem:$0x19C80] =	vst v63  }
0x80: {  	_ =	swait.ge [sflag:s25], $0x1400  }
0x81: {  	[sflag:s25] =	ssyncset.done $0x0  }
0x82: {  	s21 =	simm.s32 $0x9B00;
	[sflag:s25] =	ssyncadd.s32 $0xFFFFEC00  }
0x83: {  	[spmem:s1] =	stream.indirect.scatter.add.f32 [tilespmem:s18], [sflag:$0x7], $0x40, s21, s16, $0xb8;
	[tilespmem:$0x19C80] =	vst v63  }
0x84: {  	_ =	swait.ge [sflag:s26], $0x1400  }
0x85: {  	[sflag:s26] =	ssyncset.done $0x0  }
0x86: {  	s19 =	simm.s32 $0x9B50;
	[sflag:s26] =	ssyncadd.s32 $0xFFFFEC00  }
0x87: {  	[spmem:s1] =	stream.indirect.scatter.add.f32 [tilespmem:s20], [sflag:$0x8], $0x40, s19, s16, $0xb8;
	[tilespmem:$0x19C80] =	vst v63  }
0x88: {  	_ =	swait.ge [sflag:s28], $0x1400  }
0x89: {  	[sflag:s28] =	ssyncset.done $0x0  }
0x8a: {  	s21 =	simm.s32 $0x9BA0;
	[sflag:s28] =	ssyncadd.s32 $0xFFFFEC00  }
0x8b: {  	[spmem:s1] =	stream.indirect.scatter.add.f32 [tilespmem:s22], [sflag:$0x9], $0x40, s21, s16, $0xb8;
	[tilespmem:$0x19C80] =	vst v63  }
0x8c: {  	_ =	swait.ge [sflag:s29], $0x1400  }
0x8d: {  	[sflag:s29] =	ssyncset.done $0x0  }
0x8e: {  	s19 =	simm.s32 $0x9BF0;
	[sflag:s29] =	ssyncadd.s32 $0xFFFFEC00  }
0x8f: {  	[spmem:s1] =	stream.indirect.scatter.add.f32 [tilespmem:s24], [sflag:$0xA], $0x40, s19, s16, $0xb8;
	[tilespmem:$0x19C80] =	vst v63  }
0x90: {  	_ =	swait.ge [sflag:s30], $0x1400  }
0x91: {  	[sflag:s30] =	ssyncset.done $0x0  }
0x92: {  	[sflag:s30] =	ssyncadd.s32 $0xFFFFEC00  }
0x93: {  	_ =	swait.ge [sflag:s31], $0x1400  }
0x94: {  	[sflag:s31] =	ssyncset.done $0x0  }
0x95: {  	[sflag:s31] =	ssyncadd.s32 $0xFFFFEC00  }
0x96: {  	_ =	swait.ge [sflag:s0], $0x1400  }
0x97: {  	[sflag:s0] =	ssyncset.done $0x0  }
0x98: {  	[sflag:s0] =	ssyncadd.s32 $0xFFFFEC00  }
0x99: {  	_ =	swait.ge [sflag:s2], $0x1400  }
0x9a: {  	[sflag:s2] =	ssyncset.done $0x0  }
0x9b: {  	[sflag:s2] =	ssyncadd.s32 $0xFFFFEC00  }
0x9c: {  	_ =	swait.ge [sflag:s14], $0x1400  }
0x9d: {  	s23 =	sadd.s32 $0x1, s23;
	[sflag:s14] =	ssyncset.done $0x0  }
0x9e: {  	p0 =	sne.s32 s23, s11;
	[sflag:s14] =	ssyncadd.s32 $0xFFFFEC00  }
.Ltmp1:
0x9f: {  	s21 =	sor.u32 $0x1C0B, s6;
	[bflag:$0x0] =	sbarrier.arrive $0xFFFF;
	(pc) =	sbr.rel @p0 .LBB2_1-.Ltmp1, $4  }
0xa0: {  	[hbm:s10], [sflag:s21] =	dma.local [spmem:s12], $0x1388  }
0xa1: {  	_ =	swait.ge [sflag:s13], $0x1388  }
0xa2: {  	[sflag:s13] =	ssyncset.done $0x0  }
0xa3: {  	[sflag:s13] =	ssyncadd.s32 $0xFFFFEC78  }
0xa4: {  	_ =	sfence.sel $0x180000  }
0xa5: {  	[bflag:$0x0] =	sbarrier.arrive $0xFFFF  }
0xa6: {  	_ =	strace $0x9000004A  }
0xa7: {  	s0 =	stileid.u32;
	[bflag:$0x2] =	sbarrier.arrive $0xFFFF  }
0xa8: {  	p0 =	sne.s32 s0, $0x0;
	s0 =	rddreg [dreg:$0x3]  }
0xa9: {  	s0 =	sadd.s32 @!p0 $0x100000, s0  }
0xaa: {  	[sflag:s0] =	ssyncadd.tile.s32 @!p0 $0x1;
	_ =	shalt  }
.Lfunc_end2:
_tile_overlayer_lowered:
.L_overlay_start_2:
0xab: {  	(tag) =	ssettag $0x2  }
0xac: {  	s0 =	rddreg [dreg:$0x0];
	s2 =	stileid.u32  }
0xad: {  	s1 =	rddreg [dreg:$0x1];
	p0 =	sne.s32 s2, $0x0  }
0xae: {  	s3 =	rddreg [dreg:$0x2];
	[bflag:$0x3] =	sbarrier.arrive $0xFFFF;
	s2 =	simm.s32 @!p0 $0x1C0B  }
0xaf: {  	[timem:s3], [sflag:s2] =	dma.local @!p0 [hbm:s0], s1  }
0xb0: {  	s0 =	simm.s32 @!p0 $0xB  }
0xb1: {  	_ =	swait.ge @!p0 [sflag:s0], s1  }
0xb2: {  	s1 =	ssub.s32 @!p0 $0x0, s1;
	[sflag:s0] =	ssyncset.done @!p0 $0x0  }
0xb3: {  	[sflag:s0] =	ssyncadd.s32 @!p0 s1  }
0xb4: {  	[bflag:$0x3] =	sbarrier.arrive $0xFFFF  }
0xb5: {  	_ =	shalt  }

</sc_bundles>
